<compile_context>
chip_gen: v7x
topology: tpu7x:2x2x1
jax: 0.10.2.dev20260603
libtpu: 0.0.44.dev20260713+nightly
codegen_flags: <defaults>
</compile_context>

<pallas_src>
import jax
import jax.numpy as jnp
from jax.experimental import pallas as pl
from jax.experimental.pallas import tpu as pltpu
from jax.experimental.pallas import tpu_sc as plsc

_N_USERS = 100000
_M = 8192
_LAT = 32
_K = 20
_BR = 256
_NB = _M // _BR


def _knn_body(feat_ref, w_ref, w0_ref, b0_ref, w1_ref, b1_ref, orig_ref,
              out_ref, emb_scr):
    pid = pl.program_id(0)

    @pl.when(pid == 0)
    def _compute_embeddings():
        x = feat_ref[:, :]
        h = jax.lax.dot_general(x, w0_ref[:, :], (((1,), (1,)), ((), ())),
                                preferred_element_type=jnp.float32)
        h = jnp.maximum(h + b0_ref[:, :], 0.0)
        h = jax.lax.dot_general(h, w1_ref[:, :], (((1,), (1,)), ((), ())),
                                preferred_element_type=jnp.float32)
        h = h + b1_ref[:, :]
        mw = w_ref[:, :]
        e = jnp.exp(mw - jnp.max(mw, axis=1, keepdims=True))
        w = e / jnp.sum(e, axis=1, keepdims=True)
        emb = w[:, 0:1] * h + w[:, 1:2] * orig_ref[:, :]
        nrm = jnp.sqrt(jnp.sum(emb * emb, axis=1, keepdims=True))
        emb_scr[:, :] = emb / (nrm + 1e-8)

    rows = emb_scr[pl.ds(pid * _BR, _BR), :]
    sim_t = jax.lax.dot_general(emb_scr[:, :], rows, (((1,), (1,)), ((), ())),
                                preferred_element_type=jnp.float32)
    s = jax.lax.bitcast_convert_type(sim_t + 2.0, jnp.int32)
    skey = s & jnp.int32(~31)
    neg_i = jnp.int32(-0x80000000)
    best = skey[0:256, :] | 31
    second = jnp.full((256, _BR), neg_i, jnp.int32)
    for v in range(1, 32):
        x = skey[v * 256:(v + 1) * 256, :] | (31 - v)
        hi = jnp.maximum(best, x)
        lo = jnp.minimum(best, x)
        best = hi
        second = jnp.maximum(second, lo)

    cv = jnp.concatenate([best, second], axis=0)
    bvec = (jax.lax.broadcasted_iota(jnp.int32, (1, 512), 1) %
            256).astype(jnp.float32)
    for t in range(_K):
        m = jnp.max(cv, axis=0, keepdims=True)
        eq = cv == m
        a_idx = 31 - (m & jnp.int32(31))
        b_idx = jax.lax.dot_general(bvec, jnp.where(eq, 1.0, 0.0),
                                    (((1,), (0,)), ((), ())),
                                    preferred_element_type=jnp.float32)
        out_ref[t:t + 1, :] = (a_idx * 256 + b_idx.astype(jnp.int32)
                               + _N_USERS)
        cv = jnp.where(eq, neg_i, cv)


def _topk_cols(item_features, modal_weights, W0, b0, W1, b1,
               original_item_embeddings):
    full = lambda shape: pl.BlockSpec(shape, lambda i: (0, 0))
    return pl.pallas_call(
        _knn_body,
        grid=(_NB,),
        in_specs=[
            full((_M, 64)),
            full((1, 2)),
            full((64, 64)),
            full((1, 64)),
            full((_LAT, 64)),
            full((1, _LAT)),
            full((_M, _LAT)),
        ],
        out_specs=pl.BlockSpec((_K, _BR), lambda i: (0, i)),
        out_shape=jax.ShapeDtypeStruct((_K, _M), jnp.int32),
        scratch_shapes=[pltpu.VMEM((_M, _LAT), jnp.float32)],
        compiler_params=pltpu.CompilerParams(
            dimension_semantics=("arbitrary",)),
    )(item_features, modal_weights.reshape(1, 2), W0, b0.reshape(1, 64),
      W1, b1.reshape(1, _LAT), original_item_embeddings)


_E = 1000000
_NE = _M * _K
_TOT = _E + 2 * _NE
_NW = 32

_QG = 31264
_QV = 41504
_QC = _NE // _NW


def _coo_merge_body(graph_ref, cols_ref, oi_ref, ov_ref, buf0, buf1, colbuf,
                    rowbuf, ones_v, s_in, s_out):
    w = jax.lax.axis_index("s") * 2 + jax.lax.axis_index("c")

    gs = jnp.minimum(w * _QG, _E - _QG)
    cs = w * _QC
    h_g0 = pltpu.async_copy(graph_ref.at[pl.ds(gs, _QG)], buf0, s_in)
    h_g1 = pltpu.async_copy(graph_ref.at[pl.ds(_E + gs, _QG)], buf1, s_in)
    h_c = pltpu.async_copy(cols_ref.at[pl.ds(cs, _QC)], colbuf, s_in)

    lane = jax.lax.broadcasted_iota(jnp.int32, (16,), 0)
    base = _N_USERS + w * (_QC // _K)

    def _fill_rows(j, _):
        x = lane + j * 16
        rowbuf[pl.ds(j * 16, 16)] = ((x * 6554) >> 17) + base
        return _

    jax.lax.fori_loop(0, _QC // 16, _fill_rows, None)

    def _fill_ones(j, _):
        ones_v[pl.ds(j * 16, 16)] = jnp.full((16,), 1.0, jnp.float32)
        return _

    jax.lax.fori_loop(0, 8192 // 16, _fill_ones, None)

    writes = []
    writes.append(pltpu.async_copy(
        rowbuf, oi_ref.at[pl.ds(_E + cs, _QC)], s_out))
    writes.append(pltpu.async_copy(
        rowbuf, oi_ref.at[pl.ds(_TOT + _E + _NE + cs, _QC)], s_out))
    vs = jnp.minimum(w * _QV, _TOT - _QV)
    for c in range(5):
        writes.append(pltpu.async_copy(
            ones_v, ov_ref.at[pl.ds(vs + c * 8192, 8192)], s_out))
    writes.append(pltpu.async_copy(
        ones_v.at[pl.ds(0, _QV - 5 * 8192)],
        ov_ref.at[pl.ds(vs + 5 * 8192, _QV - 5 * 8192)], s_out))
    h_g0.wait()
    writes.append(pltpu.async_copy(
        buf0, oi_ref.at[pl.ds(gs, _QG)], s_out))
    h_g1.wait()
    writes.append(pltpu.async_copy(
        buf1, oi_ref.at[pl.ds(_TOT + gs, _QG)], s_out))
    h_c.wait()
    writes.append(pltpu.async_copy(
        colbuf, oi_ref.at[pl.ds(_E + _NE + cs, _QC)], s_out))
    writes.append(pltpu.async_copy(
        colbuf, oi_ref.at[pl.ds(_TOT + _E + cs, _QC)], s_out))
    for h in writes:
        h.wait()


def _coo_merge(graph_flat, cols_flat):
    return pl.kernel(
        _coo_merge_body,
        out_type=(jax.ShapeDtypeStruct((2 * _TOT,), jnp.int32),
                  jax.ShapeDtypeStruct((_TOT,), jnp.float32)),
        mesh=plsc.VectorSubcoreMesh(core_axis_name="c", subcore_axis_name="s"),
        scratch_types=[
            pltpu.VMEM((_QG,), jnp.int32),
            pltpu.VMEM((_QG,), jnp.int32),
            pltpu.VMEM((_QC,), jnp.int32),
            pltpu.VMEM((_QC,), jnp.int32),
            pltpu.VMEM((8192,), jnp.float32),
            pltpu.SemaphoreType.DMA,
            pltpu.SemaphoreType.DMA,
        ],
    )(graph_flat, cols_flat)


def kernel(item_features, modal_weights, W0, b0, W1, b1, graph_indices,
           graph_values, original_item_embeddings, k, b):
    cols2d = _topk_cols(item_features, modal_weights, W0, b0, W1, b1,
                        original_item_embeddings)
    cols = cols2d.T.reshape(-1)
    oi_flat, out_values = _coo_merge(graph_indices.astype(jnp.int32)
                                     .reshape(-1), cols)
    return oi_flat.reshape(2, _TOT), out_values

# --- scband reference (transcript-rebuilt; emitter-appended) ---
"""Pipeline reference for scband-graph-maker2-41343355191811 (READ-ONLY COPY).

The authoritative reference and input builder live on the scoring server;
editing this copy changes nothing except your own understanding.
"""

import jax, jax.numpy as jnp
import numpy as np

N_USERS = 100000
M_ITEMS = 8192
FEAT = 64
LATDIM = 32
E = 1000000


def setup_inputs(seed: int = 0) -> dict:
    key = jax.random.key(seed)
    ks = jax.random.split(key, 8)
    item_features = jax.random.normal(ks[0], (M_ITEMS, FEAT), dtype=jnp.float32) * 0.1
    modal_weights = jnp.array([0.5, 0.5], dtype=jnp.float32)
    W0 = jax.random.normal(ks[1], (FEAT, FEAT), dtype=jnp.float32) * 0.05
    b0 = jnp.zeros((FEAT,), dtype=jnp.float32)
    W1 = jax.random.normal(ks[2], (LATDIM, FEAT), dtype=jnp.float32) * 0.05
    b1 = jnp.zeros((LATDIM,), dtype=jnp.float32)
    graph_indices = jax.random.randint(ks[3], (2, E), 0, N_USERS + M_ITEMS, dtype=jnp.int32)
    graph_values = jax.random.uniform(ks[4], (E,), dtype=jnp.float32)
    original_item_embeddings = jax.random.normal(ks[5], (M_ITEMS, LATDIM), dtype=jnp.float32)
    return {
        'item_features': item_features,
        'modal_weights': modal_weights,
        'W0': W0, 'b0': b0, 'W1': W1, 'b1': b1,
        'graph_indices': graph_indices,
        'graph_values': graph_values,
        'original_item_embeddings': original_item_embeddings,
        'k': 20,
        'b': 1,
    }


def _internal_forward(h, W0, b0, W1, b1):
    # layer 0 (hidden) + relu, layer 1 projects FEAT -> LATDIM (args.latdim)
    h = h @ W0.T + b0
    h = jax.nn.relu(h)
    h = h @ W1.T + b1
    return h


def _add_edge2(item_embeddings, n_users, m_items, k, b):
    # kNN over item embeddings: cosine similarity, top-k neighbors per item
    norm = jnp.linalg.norm(item_embeddings, axis=1, keepdims=True)
    emb = item_embeddings / (norm + 1e-8)
    sim = emb @ emb.T
    k_static = 20
    vals, idx = jax.lax.top_k(sim, k_static)
    rows = jnp.repeat(jnp.arange(m_items, dtype=jnp.int32), k_static) + n_users
    cols = idx.reshape(-1).astype(jnp.int32) + n_users
    weights = vals.reshape(-1) * jnp.asarray(b, dtype=jnp.float32)
    weights = weights + jnp.asarray(k - k_static, dtype=jnp.float32) * 0.0
    return rows, cols, weights


def reference(item_features, modal_weights, W0, b0, W1, b1, graph_indices, graph_values, original_item_embeddings, k, b):
    item_embeddings_feats = _internal_forward(item_features, W0, b0, W1, b1)
    w = jax.nn.softmax(modal_weights, axis=0)
    item_embeddings = w[0] * item_embeddings_feats + w[1] * original_item_embeddings
    rows, cols, weights = _add_edge2(item_embeddings, N_USERS, M_ITEMS, k, b)
    row = jnp.concatenate([rows, cols])
    col = jnp.concatenate([cols, rows])
    weights = jnp.concatenate([weights, weights])
    # adj: same indices as input graph, values replaced by ones
    adj_values = jnp.ones_like(graph_values)
    new_indices = jnp.stack([row, col], axis=0)
    new_values = jnp.ones((weights.shape[0],), dtype=jnp.float32)
    # adj + new_edges_tensor in COO form: concatenated indices/values (duplicates sum implicitly on coalesce)
    out_indices = jnp.concatenate([graph_indices.astype(jnp.int32), new_indices], axis=1)
    out_values = jnp.concatenate([adj_values, new_values])
    return out_indices, out_values

if __name__ == "__main__":
    import jax
    _d = setup_inputs()
    print(jax.jit(kernel)(*tuple(_d.values())))

</pallas_src>

<mosaic_0001>
#map = affine_map<(d0, d1) -> (0)>
module attributes {stable_mosaic.version = 14 : i64} {
  func.func @_coo_merge_body(%arg0: i32, %arg1: i32, %arg2: memref<2000000xi32, #tpu.memory_space<hbm>>, %arg3: memref<163840xi32, #tpu.memory_space<hbm>>, %arg4: memref<2655360xi32, #tpu.memory_space<hbm>>, %arg5: memref<1327680xf32, #tpu.memory_space<hbm>>, %arg6: memref<31264xi32, #tpu.memory_space<vmem>>, %arg7: memref<31264xi32, #tpu.memory_space<vmem>>, %arg8: memref<5120xi32, #tpu.memory_space<vmem>>, %arg9: memref<5120xi32, #tpu.memory_space<vmem>>, %arg10: memref<8192xf32, #tpu.memory_space<vmem>>, %arg11: memref<!tpu.dma_semaphore, #tpu.memory_space<semaphore_mem>>, %arg12: memref<!tpu.dma_semaphore, #tpu.memory_space<semaphore_mem>>) attributes {dimension_semantics = [#tpu.dimension_semantics<core_parallel>, #tpu.dimension_semantics<subcore_parallel>], iteration_bounds = array<i64: 2, 16>, scalar_prefetch = 0 : i64, scratch_operands = 7 : i64, tpu.core_type = #tpu.core_type<sc_vector_subcore>, window_params = [{transform_indices = #map}, {transform_indices = #map}, {transform_indices = #map}, {transform_indices = #map}]} {
    %mul3A = arith.constant 2 : i32
    %mul3A_0 = arith.muli %arg1, %mul3A : i32
    %add3A = arith.addi %mul3A_0, %arg0 : i32
    %mul3A_1 = arith.constant 31264 : i32
    %mul3A_2 = arith.muli %add3A, %mul3A_1 : i32
    %min3A = arith.constant 968736 : i32
    %min3A_3 = arith.minsi %mul3A_2, %min3A : i32
    %mul3A_4 = arith.constant 5120 : i32
    %mul3A_5 = arith.muli %add3A, %mul3A_4 : i32
    %dma_start3A = tpu.memref_slice %arg2[%min3A_3] : memref<2000000xi32, #tpu.memory_space<hbm>> -> memref<31264xi32, #tpu.memory_space<hbm>>
    %dma_start3A_6 = tpu.memref_slice %arg2[%min3A_3] : memref<2000000xi32, #tpu.memory_space<hbm>> -> memref<31264xi32, #tpu.memory_space<hbm>>
    tpu.enqueue_dma source(%dma_start3A_6 : memref<31264xi32, #tpu.memory_space<hbm>>) target(%arg6 : memref<31264xi32, #tpu.memory_space<vmem>>) target_semaphore(%arg11 : memref<!tpu.dma_semaphore, #tpu.memory_space<semaphore_mem>>)
    %add3A_7 = arith.constant 1000000 : i32
    %add3A_8 = arith.addi %add3A_7, %min3A_3 : i32
    %dma_start3A_9 = tpu.memref_slice %arg2[%add3A_8] : memref<2000000xi32, #tpu.memory_space<hbm>> -> memref<31264xi32, #tpu.memory_space<hbm>>
    %dma_start3A_10 = tpu.memref_slice %arg2[%add3A_8] : memref<2000000xi32, #tpu.memory_space<hbm>> -> memref<31264xi32, #tpu.memory_space<hbm>>
    tpu.enqueue_dma source(%dma_start3A_10 : memref<31264xi32, #tpu.memory_space<hbm>>) target(%arg7 : memref<31264xi32, #tpu.memory_space<vmem>>) target_semaphore(%arg11 : memref<!tpu.dma_semaphore, #tpu.memory_space<semaphore_mem>>)
    %dma_start3A_11 = tpu.memref_slice %arg3[%mul3A_5] : memref<163840xi32, #tpu.memory_space<hbm>> -> memref<5120xi32, #tpu.memory_space<hbm>>
    %dma_start3A_12 = tpu.memref_slice %arg3[%mul3A_5] : memref<163840xi32, #tpu.memory_space<hbm>> -> memref<5120xi32, #tpu.memory_space<hbm>>
    tpu.enqueue_dma source(%dma_start3A_12 : memref<5120xi32, #tpu.memory_space<hbm>>) target(%arg8 : memref<5120xi32, #tpu.memory_space<vmem>>) target_semaphore(%arg11 : memref<!tpu.dma_semaphore, #tpu.memory_space<semaphore_mem>>)
    %iota3A = tpu.iota {dimensions = array<i32: 0>} : vector<16xi32>
    %mul3A_13 = arith.constant 256 : i32
    %mul3A_14 = arith.muli %add3A, %mul3A_13 : i32
    %add3A_15 = arith.constant 100000 : i32
    %add3A_16 = arith.addi %add3A_15, %mul3A_14 : i32
    %scan3A = arith.constant 0 : i32
    %scan3A_17 = arith.constant 320 : i32
    %scan3A_18 = arith.addi %scan3A, %scan3A_17 : i32
    %scan3A_19 = arith.constant 1 : i32
    scf.for %scan3A_113 = %scan3A to %scan3A_18 step %scan3A_19  : i32 {
      %mul3A_114 = arith.constant 16 : i32
      %mul3A_115 = arith.muli %scan3A_113, %mul3A_114 : i32
      %add3A_116 = vector.broadcast %mul3A_115 : i32 to vector<16xi32>
      %add3A_117 = arith.addi %iota3A, %add3A_116 : vector<16xi32>
      %mul3A_118 = arith.constant 6554 : i32
      %mul3A_119 = vector.broadcast %mul3A_118 : i32 to vector<16xi32>
      %mul3A_120 = arith.muli %add3A_117, %mul3A_119 : vector<16xi32>
      %shift_right_arithmetic3A = arith.constant 17 : i32
      %shift_right_arithmetic3A_121 = vector.broadcast %shift_right_arithmetic3A : i32 to vector<16xi32>
      %shift_right_arithmetic3A_122 = arith.shrsi %mul3A_120, %shift_right_arithmetic3A_121 : vector<16xi32>
      %add3A_123 = vector.broadcast %add3A_16 : i32 to vector<16xi32>
      %add3A_124 = arith.addi %shift_right_arithmetic3A_122, %add3A_123 : vector<16xi32>
      %mul3A_125 = arith.constant 16 : i32
      %mul3A_126 = arith.muli %scan3A_113, %mul3A_125 : i32
      %swap3A = arith.index_cast %mul3A_126 : i32 to index
      %swap3A_127 = tpu.vector_load %arg9[%swap3A] {strides = array<i32>} : memref<5120xi32, #tpu.memory_space<vmem>>, vector<16xi32>,
      %swap3A_128 = vector.shape_cast %swap3A_127 : vector<16xi32> to vector<16xi32>
      %swap3A_129 = vector.shape_cast %add3A_124 : vector<16xi32> to vector<16xi32>
      tpu.vector_store %arg9[%swap3A], %swap3A_129 {strides = array<i32>} : memref<5120xi32, #tpu.memory_space<vmem>>, vector<16xi32>,
    }
    %scan3A_20 = arith.constant 320 : i32
    %scan3A_21 = arith.constant 0 : i32
    %scan3A_22 = arith.constant 512 : i32
    %scan3A_23 = arith.addi %scan3A_21, %scan3A_22 : i32
    %scan3A_24 = arith.constant 1 : i32
    scf.for %scan3A_113 = %scan3A_21 to %scan3A_23 step %scan3A_24  : i32 {
      %broadcast_in_dim3A = arith.constant 1.000000e+00 : f32
      %broadcast_in_dim3A_114 = vector.broadcast %broadcast_in_dim3A : f32 to vector<16xf32>
      %mul3A_115 = arith.constant 16 : i32
      %mul3A_116 = arith.muli %scan3A_113, %mul3A_115 : i32
      %swap3A = arith.index_cast %mul3A_116 : i32 to index
      %swap3A_117 = tpu.vector_load %arg10[%swap3A] {strides = array<i32>} : memref<8192xf32, #tpu.memory_space<vmem>>, vector<16xf32>,
      %swap3A_118 = vector.shape_cast %swap3A_117 : vector<16xf32> to vector<16xf32>
      %swap3A_119 = vector.shape_cast %broadcast_in_dim3A_114 : vector<16xf32> to vector<16xf32>
      tpu.vector_store %arg10[%swap3A], %swap3A_119 {strides = array<i32>} : memref<8192xf32, #tpu.memory_space<vmem>>, vector<16xf32>,
    }
    %scan3A_25 = arith.constant 512 : i32
    %add3A_26 = arith.constant 1000000 : i32
    %add3A_27 = arith.addi %add3A_26, %mul3A_5 : i32
    %dma_start3A_28 = tpu.memref_slice %arg4[%add3A_27] : memref<2655360xi32, #tpu.memory_space<hbm>> -> memref<5120xi32, #tpu.memory_space<hbm>>
    %dma_start3A_29 = tpu.memref_slice %arg4[%add3A_27] : memref<2655360xi32, #tpu.memory_space<hbm>> -> memref<5120xi32, #tpu.memory_space<hbm>>
    tpu.enqueue_dma source(%arg9 : memref<5120xi32, #tpu.memory_space<vmem>>) target(%dma_start3A_29 : memref<5120xi32, #tpu.memory_space<hbm>>) target_semaphore(%arg12 : memref<!tpu.dma_semaphore, #tpu.memory_space<semaphore_mem>>)
    %add3A_30 = arith.constant 2491520 : i32
    %add3A_31 = arith.addi %add3A_30, %mul3A_5 : i32
    %dma_start3A_32 = tpu.memref_slice %arg4[%add3A_31] : memref<2655360xi32, #tpu.memory_space<hbm>> -> memref<5120xi32, #tpu.memory_space<hbm>>
    %dma_start3A_33 = tpu.memref_slice %arg4[%add3A_31] : memref<2655360xi32, #tpu.memory_space<hbm>> -> memref<5120xi32, #tpu.memory_space<hbm>>
    tpu.enqueue_dma source(%arg9 : memref<5120xi32, #tpu.memory_space<vmem>>) target(%dma_start3A_33 : memref<5120xi32, #tpu.memory_space<hbm>>) target_semaphore(%arg12 : memref<!tpu.dma_semaphore, #tpu.memory_space<semaphore_mem>>)
    %mul3A_34 = arith.constant 41504 : i32
    %mul3A_35 = arith.muli %add3A, %mul3A_34 : i32
    %min3A_36 = arith.constant 1286176 : i32
    %min3A_37 = arith.minsi %mul3A_35, %min3A_36 : i32
    %add3A_38 = arith.constant 0 : i32
    %add3A_39 = arith.addi %min3A_37, %add3A_38 : i32
    %dma_start3A_40 = tpu.memref_slice %arg5[%add3A_39] : memref<1327680xf32, #tpu.memory_space<hbm>> -> memref<8192xf32, #tpu.memory_space<hbm>>
    %dma_start3A_41 = tpu.memref_slice %arg5[%add3A_39] : memref<1327680xf32, #tpu.memory_space<hbm>> -> memref<8192xf32, #tpu.memory_space<hbm>>
    tpu.enqueue_dma source(%arg10 : memref<8192xf32, #tpu.memory_space<vmem>>) target(%dma_start3A_41 : memref<8192xf32, #tpu.memory_space<hbm>>) target_semaphore(%arg12 : memref<!tpu.dma_semaphore, #tpu.memory_space<semaphore_mem>>)
    %add3A_42 = arith.constant 8192 : i32
    %add3A_43 = arith.addi %min3A_37, %add3A_42 : i32
    %dma_start3A_44 = tpu.memref_slice %arg5[%add3A_43] : memref<1327680xf32, #tpu.memory_space<hbm>> -> memref<8192xf32, #tpu.memory_space<hbm>>
    %dma_start3A_45 = tpu.memref_slice %arg5[%add3A_43] : memref<1327680xf32, #tpu.memory_space<hbm>> -> memref<8192xf32, #tpu.memory_space<hbm>>
    tpu.enqueue_dma source(%arg10 : memref<8192xf32, #tpu.memory_space<vmem>>) target(%dma_start3A_45 : memref<8192xf32, #tpu.memory_space<hbm>>) target_semaphore(%arg12 : memref<!tpu.dma_semaphore, #tpu.memory_space<semaphore_mem>>)
    %add3A_46 = arith.constant 16384 : i32
    %add3A_47 = arith.addi %min3A_37, %add3A_46 : i32
    %dma_start3A_48 = tpu.memref_slice %arg5[%add3A_47] : memref<1327680xf32, #tpu.memory_space<hbm>> -> memref<8192xf32, #tpu.memory_space<hbm>>
    %dma_start3A_49 = tpu.memref_slice %arg5[%add3A_47] : memref<1327680xf32, #tpu.memory_space<hbm>> -> memref<8192xf32, #tpu.memory_space<hbm>>
    tpu.enqueue_dma source(%arg10 : memref<8192xf32, #tpu.memory_space<vmem>>) target(%dma_start3A_49 : memref<8192xf32, #tpu.memory_space<hbm>>) target_semaphore(%arg12 : memref<!tpu.dma_semaphore, #tpu.memory_space<semaphore_mem>>)
    %add3A_50 = arith.constant 24576 : i32
    %add3A_51 = arith.addi %min3A_37, %add3A_50 : i32
    %dma_start3A_52 = tpu.memref_slice %arg5[%add3A_51] : memref<1327680xf32, #tpu.memory_space<hbm>> -> memref<8192xf32, #tpu.memory_space<hbm>>
    %dma_start3A_53 = tpu.memref_slice %arg5[%add3A_51] : memref<1327680xf32, #tpu.memory_space<hbm>> -> memref<8192xf32, #tpu.memory_space<hbm>>
    tpu.enqueue_dma source(%arg10 : memref<8192xf32, #tpu.memory_space<vmem>>) target(%dma_start3A_53 : memref<8192xf32, #tpu.memory_space<hbm>>) target_semaphore(%arg12 : memref<!tpu.dma_semaphore, #tpu.memory_space<semaphore_mem>>)
    %add3A_54 = arith.constant 32768 : i32
    %add3A_55 = arith.addi %min3A_37, %add3A_54 : i32
    %dma_start3A_56 = tpu.memref_slice %arg5[%add3A_55] : memref<1327680xf32, #tpu.memory_space<hbm>> -> memref<8192xf32, #tpu.memory_space<hbm>>
    %dma_start3A_57 = tpu.memref_slice %arg5[%add3A_55] : memref<1327680xf32, #tpu.memory_space<hbm>> -> memref<8192xf32, #tpu.memory_space<hbm>>
    tpu.enqueue_dma source(%arg10 : memref<8192xf32, #tpu.memory_space<vmem>>) target(%dma_start3A_57 : memref<8192xf32, #tpu.memory_space<hbm>>) target_semaphore(%arg12 : memref<!tpu.dma_semaphore, #tpu.memory_space<semaphore_mem>>)
    %add3A_58 = arith.constant 40960 : i32
    %add3A_59 = arith.addi %min3A_37, %add3A_58 : i32
    %dma_start3A_60 = arith.constant 0 : i32
    %dma_start3A_61 = tpu.memref_slice %arg10[%dma_start3A_60] : memref<8192xf32, #tpu.memory_space<vmem>> -> memref<544xf32, #tpu.memory_space<vmem>>
    %dma_start3A_62 = tpu.memref_slice %arg5[%add3A_59] : memref<1327680xf32, #tpu.memory_space<hbm>> -> memref<544xf32, #tpu.memory_space<hbm>>
    %dma_start3A_63 = tpu.memref_slice %arg5[%add3A_59] : memref<1327680xf32, #tpu.memory_space<hbm>> -> memref<544xf32, #tpu.memory_space<hbm>>
    %dma_start3A_64 = arith.constant 0 : i32
    %dma_start3A_65 = tpu.memref_slice %arg10[%dma_start3A_64] : memref<8192xf32, #tpu.memory_space<vmem>> -> memref<544xf32, #tpu.memory_space<vmem>>
    tpu.enqueue_dma source(%dma_start3A_65 : memref<544xf32, #tpu.memory_space<vmem>>) target(%dma_start3A_63 : memref<544xf32, #tpu.memory_space<hbm>>) target_semaphore(%arg12 : memref<!tpu.dma_semaphore, #tpu.memory_space<semaphore_mem>>)
    %dma_wait3A = tpu.memref_slice %arg2[%min3A_3] : memref<2000000xi32, #tpu.memory_space<hbm>> -> memref<31264xi32, #tpu.memory_space<hbm>>
    %dma_wait3A_66 = tpu.memref_slice %arg2[%min3A_3] : memref<2000000xi32, #tpu.memory_space<hbm>> -> memref<31264xi32, #tpu.memory_space<hbm>>
    tpu.wait_dma2 semaphore(%arg11 : memref<!tpu.dma_semaphore, #tpu.memory_space<semaphore_mem>>) src(%dma_wait3A_66 : memref<31264xi32, #tpu.memory_space<hbm>>) dst(%arg6 : memref<31264xi32, #tpu.memory_space<vmem>>)
    %dma_start3A_67 = tpu.memref_slice %arg4[%min3A_3] : memref<2655360xi32, #tpu.memory_space<hbm>> -> memref<31264xi32, #tpu.memory_space<hbm>>
    %dma_start3A_68 = tpu.memref_slice %arg4[%min3A_3] : memref<2655360xi32, #tpu.memory_space<hbm>> -> memref<31264xi32, #tpu.memory_space<hbm>>
    tpu.enqueue_dma source(%arg6 : memref<31264xi32, #tpu.memory_space<vmem>>) target(%dma_start3A_68 : memref<31264xi32, #tpu.memory_space<hbm>>) target_semaphore(%arg12 : memref<!tpu.dma_semaphore, #tpu.memory_space<semaphore_mem>>)
    %dma_wait3A_69 = tpu.memref_slice %arg2[%add3A_8] : memref<2000000xi32, #tpu.memory_space<hbm>> -> memref<31264xi32, #tpu.memory_space<hbm>>
    %dma_wait3A_70 = tpu.memref_slice %arg2[%add3A_8] : memref<2000000xi32, #tpu.memory_space<hbm>> -> memref<31264xi32, #tpu.memory_space<hbm>>
    tpu.wait_dma2 semaphore(%arg11 : memref<!tpu.dma_semaphore, #tpu.memory_space<semaphore_mem>>) src(%dma_wait3A_70 : memref<31264xi32, #tpu.memory_space<hbm>>) dst(%arg7 : memref<31264xi32, #tpu.memory_space<vmem>>)
    %add3A_71 = arith.constant 1327680 : i32
    %add3A_72 = arith.addi %add3A_71, %min3A_3 : i32
    %dma_start3A_73 = tpu.memref_slice %arg4[%add3A_72] : memref<2655360xi32, #tpu.memory_space<hbm>> -> memref<31264xi32, #tpu.memory_space<hbm>>
    %dma_start3A_74 = tpu.memref_slice %arg4[%add3A_72] : memref<2655360xi32, #tpu.memory_space<hbm>> -> memref<31264xi32, #tpu.memory_space<hbm>>
    tpu.enqueue_dma source(%arg7 : memref<31264xi32, #tpu.memory_space<vmem>>) target(%dma_start3A_74 : memref<31264xi32, #tpu.memory_space<hbm>>) target_semaphore(%arg12 : memref<!tpu.dma_semaphore, #tpu.memory_space<semaphore_mem>>)
    %dma_wait3A_75 = tpu.memref_slice %arg3[%mul3A_5] : memref<163840xi32, #tpu.memory_space<hbm>> -> memref<5120xi32, #tpu.memory_space<hbm>>
    %dma_wait3A_76 = tpu.memref_slice %arg3[%mul3A_5] : memref<163840xi32, #tpu.memory_space<hbm>> -> memref<5120xi32, #tpu.memory_space<hbm>>
    tpu.wait_dma2 semaphore(%arg11 : memref<!tpu.dma_semaphore, #tpu.memory_space<semaphore_mem>>) src(%dma_wait3A_76 : memref<5120xi32, #tpu.memory_space<hbm>>) dst(%arg8 : memref<5120xi32, #tpu.memory_space<vmem>>)
    %add3A_77 = arith.constant 1163840 : i32
    %add3A_78 = arith.addi %add3A_77, %mul3A_5 : i32
    %dma_start3A_79 = tpu.memref_slice %arg4[%add3A_78] : memref<2655360xi32, #tpu.memory_space<hbm>> -> memref<5120xi32, #tpu.memory_space<hbm>>
    %dma_start3A_80 = tpu.memref_slice %arg4[%add3A_78] : memref<2655360xi32, #tpu.memory_space<hbm>> -> memref<5120xi32, #tpu.memory_space<hbm>>
    tpu.enqueue_dma source(%arg8 : memref<5120xi32, #tpu.memory_space<vmem>>) target(%dma_start3A_80 : memref<5120xi32, #tpu.memory_space<hbm>>) target_semaphore(%arg12 : memref<!tpu.dma_semaphore, #tpu.memory_space<semaphore_mem>>)
    %add3A_81 = arith.constant 2327680 : i32
    %add3A_82 = arith.addi %add3A_81, %mul3A_5 : i32
    %dma_start3A_83 = tpu.memref_slice %arg4[%add3A_82] : memref<2655360xi32, #tpu.memory_space<hbm>> -> memref<5120xi32, #tpu.memory_space<hbm>>
    %dma_start3A_84 = tpu.memref_slice %arg4[%add3A_82] : memref<2655360xi32, #tpu.memory_space<hbm>> -> memref<5120xi32, #tpu.memory_space<hbm>>
    tpu.enqueue_dma source(%arg8 : memref<5120xi32, #tpu.memory_space<vmem>>) target(%dma_start3A_84 : memref<5120xi32, #tpu.memory_space<hbm>>) target_semaphore(%arg12 : memref<!tpu.dma_semaphore, #tpu.memory_space<semaphore_mem>>)
    %dma_wait3A_85 = tpu.memref_slice %arg4[%add3A_27] : memref<2655360xi32, #tpu.memory_space<hbm>> -> memref<5120xi32, #tpu.memory_space<hbm>>
    %dma_wait3A_86 = tpu.memref_slice %arg4[%add3A_27] : memref<2655360xi32, #tpu.memory_space<hbm>> -> memref<5120xi32, #tpu.memory_space<hbm>>
    tpu.wait_dma2 semaphore(%arg12 : memref<!tpu.dma_semaphore, #tpu.memory_space<semaphore_mem>>) src(%arg9 : memref<5120xi32, #tpu.memory_space<vmem>>) dst(%dma_wait3A_86 : memref<5120xi32, #tpu.memory_space<hbm>>)
    %dma_wait3A_87 = tpu.memref_slice %arg4[%add3A_31] : memref<2655360xi32, #tpu.memory_space<hbm>> -> memref<5120xi32, #tpu.memory_space<hbm>>
    %dma_wait3A_88 = tpu.memref_slice %arg4[%add3A_31] : memref<2655360xi32, #tpu.memory_space<hbm>> -> memref<5120xi32, #tpu.memory_space<hbm>>
    tpu.wait_dma2 semaphore(%arg12 : memref<!tpu.dma_semaphore, #tpu.memory_space<semaphore_mem>>) src(%arg9 : memref<5120xi32, #tpu.memory_space<vmem>>) dst(%dma_wait3A_88 : memref<5120xi32, #tpu.memory_space<hbm>>)
    %dma_wait3A_89 = tpu.memref_slice %arg5[%add3A_39] : memref<1327680xf32, #tpu.memory_space<hbm>> -> memref<8192xf32, #tpu.memory_space<hbm>>
    %dma_wait3A_90 = tpu.memref_slice %arg5[%add3A_39] : memref<1327680xf32, #tpu.memory_space<hbm>> -> memref<8192xf32, #tpu.memory_space<hbm>>
    tpu.wait_dma2 semaphore(%arg12 : memref<!tpu.dma_semaphore, #tpu.memory_space<semaphore_mem>>) src(%arg10 : memref<8192xf32, #tpu.memory_space<vmem>>) dst(%dma_wait3A_90 : memref<8192xf32, #tpu.memory_space<hbm>>)
    %dma_wait3A_91 = tpu.memref_slice %arg5[%add3A_43] : memref<1327680xf32, #tpu.memory_space<hbm>> -> memref<8192xf32, #tpu.memory_space<hbm>>
    %dma_wait3A_92 = tpu.memref_slice %arg5[%add3A_43] : memref<1327680xf32, #tpu.memory_space<hbm>> -> memref<8192xf32, #tpu.memory_space<hbm>>
    tpu.wait_dma2 semaphore(%arg12 : memref<!tpu.dma_semaphore, #tpu.memory_space<semaphore_mem>>) src(%arg10 : memref<8192xf32, #tpu.memory_space<vmem>>) dst(%dma_wait3A_92 : memref<8192xf32, #tpu.memory_space<hbm>>)
    %dma_wait3A_93 = tpu.memref_slice %arg5[%add3A_47] : memref<1327680xf32, #tpu.memory_space<hbm>> -> memref<8192xf32, #tpu.memory_space<hbm>>
    %dma_wait3A_94 = tpu.memref_slice %arg5[%add3A_47] : memref<1327680xf32, #tpu.memory_space<hbm>> -> memref<8192xf32, #tpu.memory_space<hbm>>
    tpu.wait_dma2 semaphore(%arg12 : memref<!tpu.dma_semaphore, #tpu.memory_space<semaphore_mem>>) src(%arg10 : memref<8192xf32, #tpu.memory_space<vmem>>) dst(%dma_wait3A_94 : memref<8192xf32, #tpu.memory_space<hbm>>)
    %dma_wait3A_95 = tpu.memref_slice %arg5[%add3A_51] : memref<1327680xf32, #tpu.memory_space<hbm>> -> memref<8192xf32, #tpu.memory_space<hbm>>
    %dma_wait3A_96 = tpu.memref_slice %arg5[%add3A_51] : memref<1327680xf32, #tpu.memory_space<hbm>> -> memref<8192xf32, #tpu.memory_space<hbm>>
    tpu.wait_dma2 semaphore(%arg12 : memref<!tpu.dma_semaphore, #tpu.memory_space<semaphore_mem>>) src(%arg10 : memref<8192xf32, #tpu.memory_space<vmem>>) dst(%dma_wait3A_96 : memref<8192xf32, #tpu.memory_space<hbm>>)
    %dma_wait3A_97 = tpu.memref_slice %arg5[%add3A_55] : memref<1327680xf32, #tpu.memory_space<hbm>> -> memref<8192xf32, #tpu.memory_space<hbm>>
    %dma_wait3A_98 = tpu.memref_slice %arg5[%add3A_55] : memref<1327680xf32, #tpu.memory_space<hbm>> -> memref<8192xf32, #tpu.memory_space<hbm>>
    tpu.wait_dma2 semaphore(%arg12 : memref<!tpu.dma_semaphore, #tpu.memory_space<semaphore_mem>>) src(%arg10 : memref<8192xf32, #tpu.memory_space<vmem>>) dst(%dma_wait3A_98 : memref<8192xf32, #tpu.memory_space<hbm>>)
    %dma_wait3A_99 = arith.constant 0 : i32
    %dma_wait3A_100 = tpu.memref_slice %arg10[%dma_wait3A_99] : memref<8192xf32, #tpu.memory_space<vmem>> -> memref<544xf32, #tpu.memory_space<vmem>>
    %dma_wait3A_101 = tpu.memref_slice %arg5[%add3A_59] : memref<1327680xf32, #tpu.memory_space<hbm>> -> memref<544xf32, #tpu.memory_space<hbm>>
    %dma_wait3A_102 = tpu.memref_slice %arg5[%add3A_59] : memref<1327680xf32, #tpu.memory_space<hbm>> -> memref<544xf32, #tpu.memory_space<hbm>>
    %dma_wait3A_103 = arith.constant 0 : i32
    %dma_wait3A_104 = tpu.memref_slice %arg10[%dma_wait3A_103] : memref<8192xf32, #tpu.memory_space<vmem>> -> memref<544xf32, #tpu.memory_space<vmem>>
    tpu.wait_dma2 semaphore(%arg12 : memref<!tpu.dma_semaphore, #tpu.memory_space<semaphore_mem>>) src(%dma_wait3A_104 : memref<544xf32, #tpu.memory_space<vmem>>) dst(%dma_wait3A_102 : memref<544xf32, #tpu.memory_space<hbm>>)
    %dma_wait3A_105 = tpu.memref_slice %arg4[%min3A_3] : memref<2655360xi32, #tpu.memory_space<hbm>> -> memref<31264xi32, #tpu.memory_space<hbm>>
    %dma_wait3A_106 = tpu.memref_slice %arg4[%min3A_3] : memref<2655360xi32, #tpu.memory_space<hbm>> -> memref<31264xi32, #tpu.memory_space<hbm>>
    tpu.wait_dma2 semaphore(%arg12 : memref<!tpu.dma_semaphore, #tpu.memory_space<semaphore_mem>>) src(%arg6 : memref<31264xi32, #tpu.memory_space<vmem>>) dst(%dma_wait3A_106 : memref<31264xi32, #tpu.memory_space<hbm>>)
    %dma_wait3A_107 = tpu.memref_slice %arg4[%add3A_72] : memref<2655360xi32, #tpu.memory_space<hbm>> -> memref<31264xi32, #tpu.memory_space<hbm>>
    %dma_wait3A_108 = tpu.memref_slice %arg4[%add3A_72] : memref<2655360xi32, #tpu.memory_space<hbm>> -> memref<31264xi32, #tpu.memory_space<hbm>>
    tpu.wait_dma2 semaphore(%arg12 : memref<!tpu.dma_semaphore, #tpu.memory_space<semaphore_mem>>) src(%arg7 : memref<31264xi32, #tpu.memory_space<vmem>>) dst(%dma_wait3A_108 : memref<31264xi32, #tpu.memory_space<hbm>>)
    %dma_wait3A_109 = tpu.memref_slice %arg4[%add3A_78] : memref<2655360xi32, #tpu.memory_space<hbm>> -> memref<5120xi32, #tpu.memory_space<hbm>>
    %dma_wait3A_110 = tpu.memref_slice %arg4[%add3A_78] : memref<2655360xi32, #tpu.memory_space<hbm>> -> memref<5120xi32, #tpu.memory_space<hbm>>
    tpu.wait_dma2 semaphore(%arg12 : memref<!tpu.dma_semaphore, #tpu.memory_space<semaphore_mem>>) src(%arg8 : memref<5120xi32, #tpu.memory_space<vmem>>) dst(%dma_wait3A_110 : memref<5120xi32, #tpu.memory_space<hbm>>)
    %dma_wait3A_111 = tpu.memref_slice %arg4[%add3A_82] : memref<2655360xi32, #tpu.memory_space<hbm>> -> memref<5120xi32, #tpu.memory_space<hbm>>
    %dma_wait3A_112 = tpu.memref_slice %arg4[%add3A_82] : memref<2655360xi32, #tpu.memory_space<hbm>> -> memref<5120xi32, #tpu.memory_space<hbm>>
    tpu.wait_dma2 semaphore(%arg12 : memref<!tpu.dma_semaphore, #tpu.memory_space<semaphore_mem>>) src(%arg8 : memref<5120xi32, #tpu.memory_space<vmem>>) dst(%dma_wait3A_112 : memref<5120xi32, #tpu.memory_space<hbm>>)
    return
  }
}

module attributes {stable_mosaic.version = 14 : i64} {
  func.func @_knn_body(%arg0: i32, %arg1: memref<8192x64xf32, #tpu.memory_space<vmem>>, %arg2: memref<1x2xf32, #tpu.memory_space<vmem>>, %arg3: memref<64x64xf32, #tpu.memory_space<vmem>>, %arg4: memref<1x64xf32, #tpu.memory_space<vmem>>, %arg5: memref<32x64xf32, #tpu.memory_space<vmem>>, %arg6: memref<1x32xf32, #tpu.memory_space<vmem>>, %arg7: memref<8192x32xf32, #tpu.memory_space<vmem>>, %arg8: memref<20x256xi32, #tpu.memory_space<vmem>>, %arg9: memref<8192x32xf32, #tpu.memory_space<vmem>>) attributes {dimension_semantics = [#tpu.dimension_semantics<arbitrary>], iteration_bounds = array<i64: 32>, scalar_prefetch = 0 : i64, scratch_operands = 1 : i64, tpu.core_type = #tpu.core_type<tc>, window_params = [{pipeline_mode = #tpu.pipeline_mode<synchronous>, transform_indices = @transform_0, window_bounds = array<i64: 8192, 64>}, {pipeline_mode = #tpu.pipeline_mode<synchronous>, transform_indices = @transform_1, window_bounds = array<i64: 1, 2>}, {pipeline_mode = #tpu.pipeline_mode<synchronous>, transform_indices = @transform_2, window_bounds = array<i64: 64, 64>}, {pipeline_mode = #tpu.pipeline_mode<synchronous>, transform_indices = @transform_3, window_bounds = array<i64: 1, 64>}, {pipeline_mode = #tpu.pipeline_mode<synchronous>, transform_indices = @transform_4, window_bounds = array<i64: 32, 64>}, {pipeline_mode = #tpu.pipeline_mode<synchronous>, transform_indices = @transform_5, window_bounds = array<i64: 1, 32>}, {pipeline_mode = #tpu.pipeline_mode<synchronous>, transform_indices = @transform_6, window_bounds = array<i64: 8192, 32>}, {transform_indices = @transform_7, window_bounds = array<i64: 20, 256>}]} {
    %eq3A = arith.constant 0 : i32
    %eq3A_0 = arith.cmpi eq, %arg0, %eq3A : i32
    %convert_element_type3A = arith.extui %eq3A_0 : i1 to i32
    %cond3A = arith.constant 0 : i32
    %cond3A_1 = arith.cmpi ne, %convert_element_type3A, %cond3A : i32
    scf.if %cond3A_1 {
      %get3A_883 = arith.constant 0 : index
      %get3A_884 = arith.constant 0 : index
      %get3A_885 = vector.load %arg1[%get3A_883, %get3A_884] : memref<8192x64xf32, #tpu.memory_space<vmem>>, vector<8192x64xf32>
      %get3A_886 = arith.constant 0 : index
      %get3A_887 = arith.constant 0 : index
      %get3A_888 = vector.load %arg3[%get3A_886, %get3A_887] : memref<64x64xf32, #tpu.memory_space<vmem>>, vector<64x64xf32>
      %dot_general3A_889 = arith.constant dense<0.000000e+00> : vector<8192x64xf32>
      %dot_general3A_890 = tpu.matmul %get3A_885, %get3A_888, %dot_general3A_889 {dimension_numbers = #tpu.dot_dimension_numbers<[1], [1], [0], [0], [0, 0, 1, 0], [], []>, transpose_lhs_hint = false} : vector<8192x64xf32>, vector<64x64xf32>, vector<8192x64xf32> -> vector<8192x64xf32>
      %get3A_891 = arith.constant 0 : index
      %get3A_892 = arith.constant 0 : index
      %get3A_893 = vector.load %arg4[%get3A_891, %get3A_892] : memref<1x64xf32, #tpu.memory_space<vmem>>, vector<1x64xf32>
      %add3A_894 = vector.broadcast %get3A_893 : vector<1x64xf32> to vector<8192x64xf32>
      %add3A_895 = arith.addf %dot_general3A_890, %add3A_894 : vector<8192x64xf32>
      %max3A_896 = arith.constant 0.000000e+00 : f32
      %max3A_897 = vector.broadcast %max3A_896 : f32 to vector<8192x64xf32>
      %max3A_898 = arith.maximumf %add3A_895, %max3A_897 : vector<8192x64xf32>
      %get3A_899 = arith.constant 0 : index
      %get3A_900 = arith.constant 0 : index
      %get3A_901 = vector.load %arg5[%get3A_899, %get3A_900] : memref<32x64xf32, #tpu.memory_space<vmem>>, vector<32x64xf32>
      %dot_general3A_902 = arith.constant dense<0.000000e+00> : vector<8192x32xf32>
      %dot_general3A_903 = tpu.matmul %max3A_898, %get3A_901, %dot_general3A_902 {dimension_numbers = #tpu.dot_dimension_numbers<[1], [1], [0], [0], [0, 0, 1, 0], [], []>, transpose_lhs_hint = false} : vector<8192x64xf32>, vector<32x64xf32>, vector<8192x32xf32> -> vector<8192x32xf32>
      %get3A_904 = arith.constant 0 : index
      %get3A_905 = arith.constant 0 : index
      %get3A_906 = vector.load %arg6[%get3A_904, %get3A_905] : memref<1x32xf32, #tpu.memory_space<vmem>>, vector<1x32xf32>
      %add3A_907 = vector.broadcast %get3A_906 : vector<1x32xf32> to vector<8192x32xf32>
      %add3A_908 = arith.addf %dot_general3A_903, %add3A_907 : vector<8192x32xf32>
      %get3A_909 = arith.constant 0 : index
      %get3A_910 = arith.constant 0 : index
      %get3A_911 = vector.load %arg2[%get3A_909, %get3A_910] : memref<1x2xf32, #tpu.memory_space<vmem>>, vector<1x2xf32>
      %reduce_max3A_912 = arith.constant dense<0xFF800000> : vector<1xf32>
      %reduce_max3A_913 = vector.multi_reduction <maximumf>, %get3A_911, %reduce_max3A_912 [1] : vector<1x2xf32> to vector<1xf32>
      %broadcast_in_dim3A_914 = vector.shape_cast %reduce_max3A_913 : vector<1xf32> to vector<1x1xf32>
      %sub3A_915 = vector.broadcast %broadcast_in_dim3A_914 : vector<1x1xf32> to vector<1x2xf32>
      %sub3A_916 = arith.subf %get3A_911, %sub3A_915 : vector<1x2xf32>
      %exp3A = math.exp %sub3A_916 : vector<1x2xf32>
      %reduce_sum3A = arith.constant dense<0.000000e+00> : vector<1xf32>
      %reduce_sum3A_917 = vector.multi_reduction <add>, %exp3A, %reduce_sum3A [1] : vector<1x2xf32> to vector<1xf32>
      %broadcast_in_dim3A_918 = vector.shape_cast %reduce_sum3A_917 : vector<1xf32> to vector<1x1xf32>
      %div3A = vector.broadcast %broadcast_in_dim3A_918 : vector<1x1xf32> to vector<1x2xf32>
      %div3A_919 = arith.divf %exp3A, %div3A : vector<1x2xf32>
      %slice3A_920 = vector.extract_strided_slice %div3A_919 {offsets = [0, 0], sizes = [1, 1], strides = [1, 1]} : vector<1x2xf32> to vector<1x1xf32>
      %mul3A_921 = vector.broadcast %slice3A_920 : vector<1x1xf32> to vector<8192x32xf32>
      %mul3A_922 = arith.mulf %mul3A_921, %add3A_908 : vector<8192x32xf32>
      %slice3A_923 = vector.extract_strided_slice %div3A_919 {offsets = [0, 1], sizes = [1, 1], strides = [1, 1]} : vector<1x2xf32> to vector<1x1xf32>
      %get3A_924 = arith.constant 0 : index
      %get3A_925 = arith.constant 0 : index
      %get3A_926 = vector.load %arg7[%get3A_924, %get3A_925] : memref<8192x32xf32, #tpu.memory_space<vmem>>, vector<8192x32xf32>
      %mul3A_927 = vector.broadcast %slice3A_923 : vector<1x1xf32> to vector<8192x32xf32>
      %mul3A_928 = arith.mulf %mul3A_927, %get3A_926 : vector<8192x32xf32>
      %add3A_929 = arith.addf %mul3A_922, %mul3A_928 : vector<8192x32xf32>
      %mul3A_930 = arith.mulf %add3A_929, %add3A_929 : vector<8192x32xf32>
      %reduce_sum3A_931 = arith.constant dense<0.000000e+00> : vector<8192xf32>
      %reduce_sum3A_932 = vector.multi_reduction <add>, %mul3A_930, %reduce_sum3A_931 [1] : vector<8192x32xf32> to vector<8192xf32>
      %broadcast_in_dim3A_933 = vector.shape_cast %reduce_sum3A_932 : vector<8192xf32> to vector<8192x1xf32>
      %sqrt3A = math.sqrt %broadcast_in_dim3A_933 : vector<8192x1xf32>
      %add3A_934 = arith.constant 9.99999993E-9 : f32
      %add3A_935 = vector.broadcast %add3A_934 : f32 to vector<8192x1xf32>
      %add3A_936 = arith.addf %sqrt3A, %add3A_935 : vector<8192x1xf32>
      %div3A_937 = vector.broadcast %add3A_936 : vector<8192x1xf32> to vector<8192x32xf32>
      %div3A_938 = arith.divf %add3A_929, %div3A_937 : vector<8192x32xf32>
      %swap3A_939 = arith.constant 0 : index
      %swap3A_940 = arith.constant 0 : index
      %swap3A_941 = vector.load %arg9[%swap3A_939, %swap3A_940] : memref<8192x32xf32, #tpu.memory_space<vmem>>, vector<8192x32xf32>
      tpu.vector_store %arg9[%swap3A_939, %swap3A_940], %div3A_938 {strides = array<i32>} : memref<8192x32xf32, #tpu.memory_space<vmem>>, vector<8192x32xf32>,
    } else {
    }
    %mul3A = arith.constant 256 : i32
    %mul3A_2 = arith.muli %arg0, %mul3A : i32
    %get3A = arith.index_cast %mul3A_2 : i32 to index
    %get3A_3 = arith.constant 0 : index
    %get3A_4 = vector.load %arg9[%get3A, %get3A_3] : memref<8192x32xf32, #tpu.memory_space<vmem>>, vector<256x32xf32>
    %get3A_5 = arith.constant 0 : index
    %get3A_6 = arith.constant 0 : index
    %get3A_7 = vector.load %arg9[%get3A_5, %get3A_6] : memref<8192x32xf32, #tpu.memory_space<vmem>>, vector<8192x32xf32>
    %dot_general3A = arith.constant dense<0.000000e+00> : vector<8192x256xf32>
    %dot_general3A_8 = tpu.matmul %get3A_7, %get3A_4, %dot_general3A {dimension_numbers = #tpu.dot_dimension_numbers<[1], [1], [0], [0], [0, 0, 1, 0], [], []>, transpose_lhs_hint = false} : vector<8192x32xf32>, vector<256x32xf32>, vector<8192x256xf32> -> vector<8192x256xf32>
    %add3A = arith.constant 2.000000e+00 : f32
    %add3A_9 = vector.broadcast %add3A : f32 to vector<8192x256xf32>
    %add3A_10 = arith.addf %dot_general3A_8, %add3A_9 : vector<8192x256xf32>
    %bitcast_convert_type3A = tpu.bitcast %add3A_10 : vector<8192x256xf32> -> vector<8192x256xi32>
    %and3A = arith.constant -32 : i32
    %and3A_11 = vector.broadcast %and3A : i32 to vector<8192x256xi32>
    %and3A_12 = arith.andi %bitcast_convert_type3A, %and3A_11 : vector<8192x256xi32>
    %slice3A = vector.extract_strided_slice %and3A_12 {offsets = [0, 0], sizes = [256, 256], strides = [1, 1]} : vector<8192x256xi32> to vector<256x256xi32>
    %or3A = arith.constant 31 : i32
    %or3A_13 = vector.broadcast %or3A : i32 to vector<256x256xi32>
    %or3A_14 = arith.ori %slice3A, %or3A_13 : vector<256x256xi32>
    %broadcast_in_dim3A = arith.constant -2147483648 : i32
    %broadcast_in_dim3A_15 = vector.broadcast %broadcast_in_dim3A : i32 to vector<256x256xi32>
    %slice3A_16 = vector.extract_strided_slice %and3A_12 {offsets = [256, 0], sizes = [256, 256], strides = [1, 1]} : vector<8192x256xi32> to vector<256x256xi32>
    %or3A_17 = arith.constant 30 : i32
    %or3A_18 = vector.broadcast %or3A_17 : i32 to vector<256x256xi32>
    %or3A_19 = arith.ori %slice3A_16, %or3A_18 : vector<256x256xi32>
    %max3A = arith.maxsi %or3A_14, %or3A_19 : vector<256x256xi32>
    %min3A = arith.minsi %or3A_14, %or3A_19 : vector<256x256xi32>
    %max3A_20 = arith.maxsi %broadcast_in_dim3A_15, %min3A : vector<256x256xi32>
    %slice3A_21 = vector.extract_strided_slice %and3A_12 {offsets = [512, 0], sizes = [256, 256], strides = [1, 1]} : vector<8192x256xi32> to vector<256x256xi32>
    %or3A_22 = arith.constant 29 : i32
    %or3A_23 = vector.broadcast %or3A_22 : i32 to vector<256x256xi32>
    %or3A_24 = arith.ori %slice3A_21, %or3A_23 : vector<256x256xi32>
    %max3A_25 = arith.maxsi %max3A, %or3A_24 : vector<256x256xi32>
    %min3A_26 = arith.minsi %max3A, %or3A_24 : vector<256x256xi32>
    %max3A_27 = arith.maxsi %max3A_20, %min3A_26 : vector<256x256xi32>
    %slice3A_28 = vector.extract_strided_slice %and3A_12 {offsets = [768, 0], sizes = [256, 256], strides = [1, 1]} : vector<8192x256xi32> to vector<256x256xi32>
    %or3A_29 = arith.constant 28 : i32
    %or3A_30 = vector.broadcast %or3A_29 : i32 to vector<256x256xi32>
    %or3A_31 = arith.ori %slice3A_28, %or3A_30 : vector<256x256xi32>
    %max3A_32 = arith.maxsi %max3A_25, %or3A_31 : vector<256x256xi32>
    %min3A_33 = arith.minsi %max3A_25, %or3A_31 : vector<256x256xi32>
    %max3A_34 = arith.maxsi %max3A_27, %min3A_33 : vector<256x256xi32>
    %slice3A_35 = vector.extract_strided_slice %and3A_12 {offsets = [1024, 0], sizes = [256, 256], strides = [1, 1]} : vector<8192x256xi32> to vector<256x256xi32>
    %or3A_36 = arith.constant 27 : i32
    %or3A_37 = vector.broadcast %or3A_36 : i32 to vector<256x256xi32>
    %or3A_38 = arith.ori %slice3A_35, %or3A_37 : vector<256x256xi32>
    %max3A_39 = arith.maxsi %max3A_32, %or3A_38 : vector<256x256xi32>
    %min3A_40 = arith.minsi %max3A_32, %or3A_38 : vector<256x256xi32>
    %max3A_41 = arith.maxsi %max3A_34, %min3A_40 : vector<256x256xi32>
    %slice3A_42 = vector.extract_strided_slice %and3A_12 {offsets = [1280, 0], sizes = [256, 256], strides = [1, 1]} : vector<8192x256xi32> to vector<256x256xi32>
    %or3A_43 = arith.constant 26 : i32
    %or3A_44 = vector.broadcast %or3A_43 : i32 to vector<256x256xi32>
    %or3A_45 = arith.ori %slice3A_42, %or3A_44 : vector<256x256xi32>
    %max3A_46 = arith.maxsi %max3A_39, %or3A_45 : vector<256x256xi32>
    %min3A_47 = arith.minsi %max3A_39, %or3A_45 : vector<256x256xi32>
    %max3A_48 = arith.maxsi %max3A_41, %min3A_47 : vector<256x256xi32>
    %slice3A_49 = vector.extract_strided_slice %and3A_12 {offsets = [1536, 0], sizes = [256, 256], strides = [1, 1]} : vector<8192x256xi32> to vector<256x256xi32>
    %or3A_50 = arith.constant 25 : i32
    %or3A_51 = vector.broadcast %or3A_50 : i32 to vector<256x256xi32>
    %or3A_52 = arith.ori %slice3A_49, %or3A_51 : vector<256x256xi32>
    %max3A_53 = arith.maxsi %max3A_46, %or3A_52 : vector<256x256xi32>
    %min3A_54 = arith.minsi %max3A_46, %or3A_52 : vector<256x256xi32>
    %max3A_55 = arith.maxsi %max3A_48, %min3A_54 : vector<256x256xi32>
    %slice3A_56 = vector.extract_strided_slice %and3A_12 {offsets = [1792, 0], sizes = [256, 256], strides = [1, 1]} : vector<8192x256xi32> to vector<256x256xi32>
    %or3A_57 = arith.constant 24 : i32
    %or3A_58 = vector.broadcast %or3A_57 : i32 to vector<256x256xi32>
    %or3A_59 = arith.ori %slice3A_56, %or3A_58 : vector<256x256xi32>
    %max3A_60 = arith.maxsi %max3A_53, %or3A_59 : vector<256x256xi32>
    %min3A_61 = arith.minsi %max3A_53, %or3A_59 : vector<256x256xi32>
    %max3A_62 = arith.maxsi %max3A_55, %min3A_61 : vector<256x256xi32>
    %slice3A_63 = vector.extract_strided_slice %and3A_12 {offsets = [2048, 0], sizes = [256, 256], strides = [1, 1]} : vector<8192x256xi32> to vector<256x256xi32>
    %or3A_64 = arith.constant 23 : i32
    %or3A_65 = vector.broadcast %or3A_64 : i32 to vector<256x256xi32>
    %or3A_66 = arith.ori %slice3A_63, %or3A_65 : vector<256x256xi32>
    %max3A_67 = arith.maxsi %max3A_60, %or3A_66 : vector<256x256xi32>
    %min3A_68 = arith.minsi %max3A_60, %or3A_66 : vector<256x256xi32>
    %max3A_69 = arith.maxsi %max3A_62, %min3A_68 : vector<256x256xi32>
    %slice3A_70 = vector.extract_strided_slice %and3A_12 {offsets = [2304, 0], sizes = [256, 256], strides = [1, 1]} : vector<8192x256xi32> to vector<256x256xi32>
    %or3A_71 = arith.constant 22 : i32
    %or3A_72 = vector.broadcast %or3A_71 : i32 to vector<256x256xi32>
    %or3A_73 = arith.ori %slice3A_70, %or3A_72 : vector<256x256xi32>
    %max3A_74 = arith.maxsi %max3A_67, %or3A_73 : vector<256x256xi32>
    %min3A_75 = arith.minsi %max3A_67, %or3A_73 : vector<256x256xi32>
    %max3A_76 = arith.maxsi %max3A_69, %min3A_75 : vector<256x256xi32>
    %slice3A_77 = vector.extract_strided_slice %and3A_12 {offsets = [2560, 0], sizes = [256, 256], strides = [1, 1]} : vector<8192x256xi32> to vector<256x256xi32>
    %or3A_78 = arith.constant 21 : i32
    %or3A_79 = vector.broadcast %or3A_78 : i32 to vector<256x256xi32>
    %or3A_80 = arith.ori %slice3A_77, %or3A_79 : vector<256x256xi32>
    %max3A_81 = arith.maxsi %max3A_74, %or3A_80 : vector<256x256xi32>
    %min3A_82 = arith.minsi %max3A_74, %or3A_80 : vector<256x256xi32>
    %max3A_83 = arith.maxsi %max3A_76, %min3A_82 : vector<256x256xi32>
    %slice3A_84 = vector.extract_strided_slice %and3A_12 {offsets = [2816, 0], sizes = [256, 256], strides = [1, 1]} : vector<8192x256xi32> to vector<256x256xi32>
    %or3A_85 = arith.constant 20 : i32
    %or3A_86 = vector.broadcast %or3A_85 : i32 to vector<256x256xi32>
    %or3A_87 = arith.ori %slice3A_84, %or3A_86 : vector<256x256xi32>
    %max3A_88 = arith.maxsi %max3A_81, %or3A_87 : vector<256x256xi32>
    %min3A_89 = arith.minsi %max3A_81, %or3A_87 : vector<256x256xi32>
    %max3A_90 = arith.maxsi %max3A_83, %min3A_89 : vector<256x256xi32>
    %slice3A_91 = vector.extract_strided_slice %and3A_12 {offsets = [3072, 0], sizes = [256, 256], strides = [1, 1]} : vector<8192x256xi32> to vector<256x256xi32>
    %or3A_92 = arith.constant 19 : i32
    %or3A_93 = vector.broadcast %or3A_92 : i32 to vector<256x256xi32>
    %or3A_94 = arith.ori %slice3A_91, %or3A_93 : vector<256x256xi32>
    %max3A_95 = arith.maxsi %max3A_88, %or3A_94 : vector<256x256xi32>
    %min3A_96 = arith.minsi %max3A_88, %or3A_94 : vector<256x256xi32>
    %max3A_97 = arith.maxsi %max3A_90, %min3A_96 : vector<256x256xi32>
    %slice3A_98 = vector.extract_strided_slice %and3A_12 {offsets = [3328, 0], sizes = [256, 256], strides = [1, 1]} : vector<8192x256xi32> to vector<256x256xi32>
    %or3A_99 = arith.constant 18 : i32
    %or3A_100 = vector.broadcast %or3A_99 : i32 to vector<256x256xi32>
    %or3A_101 = arith.ori %slice3A_98, %or3A_100 : vector<256x256xi32>
    %max3A_102 = arith.maxsi %max3A_95, %or3A_101 : vector<256x256xi32>
    %min3A_103 = arith.minsi %max3A_95, %or3A_101 : vector<256x256xi32>
    %max3A_104 = arith.maxsi %max3A_97, %min3A_103 : vector<256x256xi32>
    %slice3A_105 = vector.extract_strided_slice %and3A_12 {offsets = [3584, 0], sizes = [256, 256], strides = [1, 1]} : vector<8192x256xi32> to vector<256x256xi32>
    %or3A_106 = arith.constant 17 : i32
    %or3A_107 = vector.broadcast %or3A_106 : i32 to vector<256x256xi32>
    %or3A_108 = arith.ori %slice3A_105, %or3A_107 : vector<256x256xi32>
    %max3A_109 = arith.maxsi %max3A_102, %or3A_108 : vector<256x256xi32>
    %min3A_110 = arith.minsi %max3A_102, %or3A_108 : vector<256x256xi32>
    %max3A_111 = arith.maxsi %max3A_104, %min3A_110 : vector<256x256xi32>
    %slice3A_112 = vector.extract_strided_slice %and3A_12 {offsets = [3840, 0], sizes = [256, 256], strides = [1, 1]} : vector<8192x256xi32> to vector<256x256xi32>
    %or3A_113 = arith.constant 16 : i32
    %or3A_114 = vector.broadcast %or3A_113 : i32 to vector<256x256xi32>
    %or3A_115 = arith.ori %slice3A_112, %or3A_114 : vector<256x256xi32>
    %max3A_116 = arith.maxsi %max3A_109, %or3A_115 : vector<256x256xi32>
    %min3A_117 = arith.minsi %max3A_109, %or3A_115 : vector<256x256xi32>
    %max3A_118 = arith.maxsi %max3A_111, %min3A_117 : vector<256x256xi32>
    %slice3A_119 = vector.extract_strided_slice %and3A_12 {offsets = [4096, 0], sizes = [256, 256], strides = [1, 1]} : vector<8192x256xi32> to vector<256x256xi32>
    %or3A_120 = arith.constant 15 : i32
    %or3A_121 = vector.broadcast %or3A_120 : i32 to vector<256x256xi32>
    %or3A_122 = arith.ori %slice3A_119, %or3A_121 : vector<256x256xi32>
    %max3A_123 = arith.maxsi %max3A_116, %or3A_122 : vector<256x256xi32>
    %min3A_124 = arith.minsi %max3A_116, %or3A_122 : vector<256x256xi32>
    %max3A_125 = arith.maxsi %max3A_118, %min3A_124 : vector<256x256xi32>
    %slice3A_126 = vector.extract_strided_slice %and3A_12 {offsets = [4352, 0], sizes = [256, 256], strides = [1, 1]} : vector<8192x256xi32> to vector<256x256xi32>
    %or3A_127 = arith.constant 14 : i32
    %or3A_128 = vector.broadcast %or3A_127 : i32 to vector<256x256xi32>
    %or3A_129 = arith.ori %slice3A_126, %or3A_128 : vector<256x256xi32>
    %max3A_130 = arith.maxsi %max3A_123, %or3A_129 : vector<256x256xi32>
    %min3A_131 = arith.minsi %max3A_123, %or3A_129 : vector<256x256xi32>
    %max3A_132 = arith.maxsi %max3A_125, %min3A_131 : vector<256x256xi32>
    %slice3A_133 = vector.extract_strided_slice %and3A_12 {offsets = [4608, 0], sizes = [256, 256], strides = [1, 1]} : vector<8192x256xi32> to vector<256x256xi32>
    %or3A_134 = arith.constant 13 : i32
    %or3A_135 = vector.broadcast %or3A_134 : i32 to vector<256x256xi32>
    %or3A_136 = arith.ori %slice3A_133, %or3A_135 : vector<256x256xi32>
    %max3A_137 = arith.maxsi %max3A_130, %or3A_136 : vector<256x256xi32>
    %min3A_138 = arith.minsi %max3A_130, %or3A_136 : vector<256x256xi32>
    %max3A_139 = arith.maxsi %max3A_132, %min3A_138 : vector<256x256xi32>
    %slice3A_140 = vector.extract_strided_slice %and3A_12 {offsets = [4864, 0], sizes = [256, 256], strides = [1, 1]} : vector<8192x256xi32> to vector<256x256xi32>
    %or3A_141 = arith.constant 12 : i32
    %or3A_142 = vector.broadcast %or3A_141 : i32 to vector<256x256xi32>
    %or3A_143 = arith.ori %slice3A_140, %or3A_142 : vector<256x256xi32>
    %max3A_144 = arith.maxsi %max3A_137, %or3A_143 : vector<256x256xi32>
    %min3A_145 = arith.minsi %max3A_137, %or3A_143 : vector<256x256xi32>
    %max3A_146 = arith.maxsi %max3A_139, %min3A_145 : vector<256x256xi32>
    %slice3A_147 = vector.extract_strided_slice %and3A_12 {offsets = [5120, 0], sizes = [256, 256], strides = [1, 1]} : vector<8192x256xi32> to vector<256x256xi32>
    %or3A_148 = arith.constant 11 : i32
    %or3A_149 = vector.broadcast %or3A_148 : i32 to vector<256x256xi32>
    %or3A_150 = arith.ori %slice3A_147, %or3A_149 : vector<256x256xi32>
    %max3A_151 = arith.maxsi %max3A_144, %or3A_150 : vector<256x256xi32>
    %min3A_152 = arith.minsi %max3A_144, %or3A_150 : vector<256x256xi32>
    %max3A_153 = arith.maxsi %max3A_146, %min3A_152 : vector<256x256xi32>
    %slice3A_154 = vector.extract_strided_slice %and3A_12 {offsets = [5376, 0], sizes = [256, 256], strides = [1, 1]} : vector<8192x256xi32> to vector<256x256xi32>
    %or3A_155 = arith.constant 10 : i32
    %or3A_156 = vector.broadcast %or3A_155 : i32 to vector<256x256xi32>
    %or3A_157 = arith.ori %slice3A_154, %or3A_156 : vector<256x256xi32>
    %max3A_158 = arith.maxsi %max3A_151, %or3A_157 : vector<256x256xi32>
    %min3A_159 = arith.minsi %max3A_151, %or3A_157 : vector<256x256xi32>
    %max3A_160 = arith.maxsi %max3A_153, %min3A_159 : vector<256x256xi32>
    %slice3A_161 = vector.extract_strided_slice %and3A_12 {offsets = [5632, 0], sizes = [256, 256], strides = [1, 1]} : vector<8192x256xi32> to vector<256x256xi32>
    %or3A_162 = arith.constant 9 : i32
    %or3A_163 = vector.broadcast %or3A_162 : i32 to vector<256x256xi32>
    %or3A_164 = arith.ori %slice3A_161, %or3A_163 : vector<256x256xi32>
    %max3A_165 = arith.maxsi %max3A_158, %or3A_164 : vector<256x256xi32>
    %min3A_166 = arith.minsi %max3A_158, %or3A_164 : vector<256x256xi32>
    %max3A_167 = arith.maxsi %max3A_160, %min3A_166 : vector<256x256xi32>
    %slice3A_168 = vector.extract_strided_slice %and3A_12 {offsets = [5888, 0], sizes = [256, 256], strides = [1, 1]} : vector<8192x256xi32> to vector<256x256xi32>
    %or3A_169 = arith.constant 8 : i32
    %or3A_170 = vector.broadcast %or3A_169 : i32 to vector<256x256xi32>
    %or3A_171 = arith.ori %slice3A_168, %or3A_170 : vector<256x256xi32>
    %max3A_172 = arith.maxsi %max3A_165, %or3A_171 : vector<256x256xi32>
    %min3A_173 = arith.minsi %max3A_165, %or3A_171 : vector<256x256xi32>
    %max3A_174 = arith.maxsi %max3A_167, %min3A_173 : vector<256x256xi32>
    %slice3A_175 = vector.extract_strided_slice %and3A_12 {offsets = [6144, 0], sizes = [256, 256], strides = [1, 1]} : vector<8192x256xi32> to vector<256x256xi32>
    %or3A_176 = arith.constant 7 : i32
    %or3A_177 = vector.broadcast %or3A_176 : i32 to vector<256x256xi32>
    %or3A_178 = arith.ori %slice3A_175, %or3A_177 : vector<256x256xi32>
    %max3A_179 = arith.maxsi %max3A_172, %or3A_178 : vector<256x256xi32>
    %min3A_180 = arith.minsi %max3A_172, %or3A_178 : vector<256x256xi32>
    %max3A_181 = arith.maxsi %max3A_174, %min3A_180 : vector<256x256xi32>
    %slice3A_182 = vector.extract_strided_slice %and3A_12 {offsets = [6400, 0], sizes = [256, 256], strides = [1, 1]} : vector<8192x256xi32> to vector<256x256xi32>
    %or3A_183 = arith.constant 6 : i32
    %or3A_184 = vector.broadcast %or3A_183 : i32 to vector<256x256xi32>
    %or3A_185 = arith.ori %slice3A_182, %or3A_184 : vector<256x256xi32>
    %max3A_186 = arith.maxsi %max3A_179, %or3A_185 : vector<256x256xi32>
    %min3A_187 = arith.minsi %max3A_179, %or3A_185 : vector<256x256xi32>
    %max3A_188 = arith.maxsi %max3A_181, %min3A_187 : vector<256x256xi32>
    %slice3A_189 = vector.extract_strided_slice %and3A_12 {offsets = [6656, 0], sizes = [256, 256], strides = [1, 1]} : vector<8192x256xi32> to vector<256x256xi32>
    %or3A_190 = arith.constant 5 : i32
    %or3A_191 = vector.broadcast %or3A_190 : i32 to vector<256x256xi32>
    %or3A_192 = arith.ori %slice3A_189, %or3A_191 : vector<256x256xi32>
    %max3A_193 = arith.maxsi %max3A_186, %or3A_192 : vector<256x256xi32>
    %min3A_194 = arith.minsi %max3A_186, %or3A_192 : vector<256x256xi32>
    %max3A_195 = arith.maxsi %max3A_188, %min3A_194 : vector<256x256xi32>
    %slice3A_196 = vector.extract_strided_slice %and3A_12 {offsets = [6912, 0], sizes = [256, 256], strides = [1, 1]} : vector<8192x256xi32> to vector<256x256xi32>
    %or3A_197 = arith.constant 4 : i32
    %or3A_198 = vector.broadcast %or3A_197 : i32 to vector<256x256xi32>
    %or3A_199 = arith.ori %slice3A_196, %or3A_198 : vector<256x256xi32>
    %max3A_200 = arith.maxsi %max3A_193, %or3A_199 : vector<256x256xi32>
    %min3A_201 = arith.minsi %max3A_193, %or3A_199 : vector<256x256xi32>
    %max3A_202 = arith.maxsi %max3A_195, %min3A_201 : vector<256x256xi32>
    %slice3A_203 = vector.extract_strided_slice %and3A_12 {offsets = [7168, 0], sizes = [256, 256], strides = [1, 1]} : vector<8192x256xi32> to vector<256x256xi32>
    %or3A_204 = arith.constant 3 : i32
    %or3A_205 = vector.broadcast %or3A_204 : i32 to vector<256x256xi32>
    %or3A_206 = arith.ori %slice3A_203, %or3A_205 : vector<256x256xi32>
    %max3A_207 = arith.maxsi %max3A_200, %or3A_206 : vector<256x256xi32>
    %min3A_208 = arith.minsi %max3A_200, %or3A_206 : vector<256x256xi32>
    %max3A_209 = arith.maxsi %max3A_202, %min3A_208 : vector<256x256xi32>
    %slice3A_210 = vector.extract_strided_slice %and3A_12 {offsets = [7424, 0], sizes = [256, 256], strides = [1, 1]} : vector<8192x256xi32> to vector<256x256xi32>
    %or3A_211 = arith.constant 2 : i32
    %or3A_212 = vector.broadcast %or3A_211 : i32 to vector<256x256xi32>
    %or3A_213 = arith.ori %slice3A_210, %or3A_212 : vector<256x256xi32>
    %max3A_214 = arith.maxsi %max3A_207, %or3A_213 : vector<256x256xi32>
    %min3A_215 = arith.minsi %max3A_207, %or3A_213 : vector<256x256xi32>
    %max3A_216 = arith.maxsi %max3A_209, %min3A_215 : vector<256x256xi32>
    %slice3A_217 = vector.extract_strided_slice %and3A_12 {offsets = [7680, 0], sizes = [256, 256], strides = [1, 1]} : vector<8192x256xi32> to vector<256x256xi32>
    %or3A_218 = arith.constant 1 : i32
    %or3A_219 = vector.broadcast %or3A_218 : i32 to vector<256x256xi32>
    %or3A_220 = arith.ori %slice3A_217, %or3A_219 : vector<256x256xi32>
    %max3A_221 = arith.maxsi %max3A_214, %or3A_220 : vector<256x256xi32>
    %min3A_222 = arith.minsi %max3A_214, %or3A_220 : vector<256x256xi32>
    %max3A_223 = arith.maxsi %max3A_216, %min3A_222 : vector<256x256xi32>
    %slice3A_224 = vector.extract_strided_slice %and3A_12 {offsets = [7936, 0], sizes = [256, 256], strides = [1, 1]} : vector<8192x256xi32> to vector<256x256xi32>
    %or3A_225 = arith.constant 0 : i32
    %or3A_226 = vector.broadcast %or3A_225 : i32 to vector<256x256xi32>
    %or3A_227 = arith.ori %slice3A_224, %or3A_226 : vector<256x256xi32>
    %max3A_228 = arith.maxsi %max3A_221, %or3A_227 : vector<256x256xi32>
    %min3A_229 = arith.minsi %max3A_221, %or3A_227 : vector<256x256xi32>
    %max3A_230 = arith.maxsi %max3A_223, %min3A_229 : vector<256x256xi32>
    %concatenate3A = tpu.concatenate %max3A_228, %max3A_230 in 0 : vector<256x256xi32>, vector<256x256xi32> -> vector<512x256xi32>
    %iota3A = tpu.iota {dimensions = array<i32: 1>} : vector<1x512xi32>
    %jit3A = arith.constant 256 : i32
    %eq3A_231 = arith.constant 0 : i32
    %eq3A_232 = arith.cmpi eq, %jit3A, %eq3A_231 : i32
    %jit3A_233 = arith.constant 1 : i32
    %select_n3A = arith.select %eq3A_232, %jit3A_233, %jit3A : i32
    %rem3A = vector.broadcast %select_n3A : i32 to vector<1x512xi32>
    %rem3A_234 = arith.remsi %iota3A, %rem3A : vector<1x512xi32>
    %ne3A = arith.constant 0 : i32
    %ne3A_235 = vector.broadcast %ne3A : i32 to vector<1x512xi32>
    %ne3A_236 = arith.cmpi ne, %rem3A_234, %ne3A_235 : vector<1x512xi32>
    %lt3A = arith.constant 0 : i32
    %lt3A_237 = vector.broadcast %lt3A : i32 to vector<1x512xi32>
    %lt3A_238 = arith.cmpi slt, %rem3A_234, %lt3A_237 : vector<1x512xi32>
    %lt3A_239 = arith.constant 0 : i32
    %lt3A_240 = arith.cmpi slt, %select_n3A, %lt3A_239 : i32
    %ne3A_241 = vector.broadcast %lt3A_240 : i1 to vector<1x512xi1>
    %ne3A_242 = vector.broadcast %ne3A_241 : vector<1x512xi1> to vector<1x512xi1>
    %ne3A_243 = arith.xori %lt3A_238, %ne3A_242 : vector<1x512xi1>
    %and3A_244 = arith.andi %ne3A_243, %ne3A_236 : vector<1x512xi1>
    %add3A_245 = vector.broadcast %select_n3A : i32 to vector<1x512xi32>
    %add3A_246 = arith.addi %rem3A_234, %add3A_245 : vector<1x512xi32>
    %select_n3A_247 = arith.select %and3A_244, %add3A_246, %rem3A_234 : vector<1x512xi1>, vector<1x512xi32>
    %convert_element_type3A_248 = arith.sitofp %select_n3A_247 : vector<1x512xi32> to vector<1x512xf32>
    %reduce_max3A = arith.constant dense<-2147483648> : vector<256xi32>
    %reduce_max3A_249 = vector.multi_reduction <maxsi>, %concatenate3A, %reduce_max3A [0] : vector<512x256xi32> to vector<256xi32>
    %broadcast_in_dim3A_250 = vector.shape_cast %reduce_max3A_249 : vector<256xi32> to vector<1x256xi32>
    %eq3A_251 = vector.broadcast %broadcast_in_dim3A_250 : vector<1x256xi32> to vector<512x256xi32>
    %eq3A_252 = arith.cmpi eq, %concatenate3A, %eq3A_251 : vector<512x256xi32>
    %and3A_253 = arith.constant 31 : i32
    %and3A_254 = vector.broadcast %and3A_253 : i32 to vector<1x256xi32>
    %and3A_255 = arith.andi %broadcast_in_dim3A_250, %and3A_254 : vector<1x256xi32>
    %sub3A = arith.constant 31 : i32
    %sub3A_256 = vector.broadcast %sub3A : i32 to vector<1x256xi32>
    %sub3A_257 = arith.subi %sub3A_256, %and3A_255 : vector<1x256xi32>
    %jit3A_258 = arith.constant 1.000000e+00 : f32
    %jit3A_259 = arith.constant 0.000000e+00 : f32
    %broadcast_in_dim3A_260 = vector.broadcast %jit3A_258 : f32 to vector<512x256xf32>
    %broadcast_in_dim3A_261 = vector.broadcast %jit3A_259 : f32 to vector<512x256xf32>
    %select_n3A_262 = arith.select %eq3A_252, %broadcast_in_dim3A_260, %broadcast_in_dim3A_261 : vector<512x256xi1>, vector<512x256xf32>
    %dot_general3A_263 = arith.constant dense<0.000000e+00> : vector<1x256xf32>
    %dot_general3A_264 = tpu.matmul %convert_element_type3A_248, %select_n3A_262, %dot_general3A_263 {dimension_numbers = #tpu.dot_dimension_numbers<[1], [0], [0], [1], [0, 0, 1, 1], [], []>, transpose_lhs_hint = false} : vector<1x512xf32>, vector<512x256xf32>, vector<1x256xf32> -> vector<1x256xf32>
    %mul3A_265 = arith.constant 256 : i32
    %mul3A_266 = vector.broadcast %mul3A_265 : i32 to vector<1x256xi32>
    %mul3A_267 = arith.muli %sub3A_257, %mul3A_266 : vector<1x256xi32>
    %convert_element_type3A_268 = arith.fptosi %dot_general3A_264 : vector<1x256xf32> to vector<1x256xi32>
    %add3A_269 = arith.addi %mul3A_267, %convert_element_type3A_268 : vector<1x256xi32>
    %add3A_270 = arith.constant 100000 : i32
    %add3A_271 = vector.broadcast %add3A_270 : i32 to vector<1x256xi32>
    %add3A_272 = arith.addi %add3A_269, %add3A_271 : vector<1x256xi32>
    %swap3A = arith.constant 0 : index
    %swap3A_273 = arith.constant 0 : index
    %swap3A_274 = vector.load %arg8[%swap3A, %swap3A_273] : memref<20x256xi32, #tpu.memory_space<vmem>>, vector<1x256xi32>
    tpu.vector_store %arg8[%swap3A, %swap3A_273], %add3A_272 {strides = array<i32>} : memref<20x256xi32, #tpu.memory_space<vmem>>, vector<1x256xi32>,
    %jit3A_275 = arith.constant -2147483648 : i32
    %broadcast_in_dim3A_276 = vector.broadcast %jit3A_275 : i32 to vector<512x256xi32>
    %select_n3A_277 = arith.select %eq3A_252, %broadcast_in_dim3A_276, %concatenate3A : vector<512x256xi1>, vector<512x256xi32>
    %reduce_max3A_278 = arith.constant dense<-2147483648> : vector<256xi32>
    %reduce_max3A_279 = vector.multi_reduction <maxsi>, %select_n3A_277, %reduce_max3A_278 [0] : vector<512x256xi32> to vector<256xi32>
    %broadcast_in_dim3A_280 = vector.shape_cast %reduce_max3A_279 : vector<256xi32> to vector<1x256xi32>
    %eq3A_281 = vector.broadcast %broadcast_in_dim3A_280 : vector<1x256xi32> to vector<512x256xi32>
    %eq3A_282 = arith.cmpi eq, %select_n3A_277, %eq3A_281 : vector<512x256xi32>
    %and3A_283 = arith.constant 31 : i32
    %and3A_284 = vector.broadcast %and3A_283 : i32 to vector<1x256xi32>
    %and3A_285 = arith.andi %broadcast_in_dim3A_280, %and3A_284 : vector<1x256xi32>
    %sub3A_286 = arith.constant 31 : i32
    %sub3A_287 = vector.broadcast %sub3A_286 : i32 to vector<1x256xi32>
    %sub3A_288 = arith.subi %sub3A_287, %and3A_285 : vector<1x256xi32>
    %jit3A_289 = arith.constant 1.000000e+00 : f32
    %jit3A_290 = arith.constant 0.000000e+00 : f32
    %broadcast_in_dim3A_291 = vector.broadcast %jit3A_289 : f32 to vector<512x256xf32>
    %broadcast_in_dim3A_292 = vector.broadcast %jit3A_290 : f32 to vector<512x256xf32>
    %select_n3A_293 = arith.select %eq3A_282, %broadcast_in_dim3A_291, %broadcast_in_dim3A_292 : vector<512x256xi1>, vector<512x256xf32>
    %dot_general3A_294 = arith.constant dense<0.000000e+00> : vector<1x256xf32>
    %dot_general3A_295 = tpu.matmul %convert_element_type3A_248, %select_n3A_293, %dot_general3A_294 {dimension_numbers = #tpu.dot_dimension_numbers<[1], [0], [0], [1], [0, 0, 1, 1], [], []>, transpose_lhs_hint = false} : vector<1x512xf32>, vector<512x256xf32>, vector<1x256xf32> -> vector<1x256xf32>
    %mul3A_296 = arith.constant 256 : i32
    %mul3A_297 = vector.broadcast %mul3A_296 : i32 to vector<1x256xi32>
    %mul3A_298 = arith.muli %sub3A_288, %mul3A_297 : vector<1x256xi32>
    %convert_element_type3A_299 = arith.fptosi %dot_general3A_295 : vector<1x256xf32> to vector<1x256xi32>
    %add3A_300 = arith.addi %mul3A_298, %convert_element_type3A_299 : vector<1x256xi32>
    %add3A_301 = arith.constant 100000 : i32
    %add3A_302 = vector.broadcast %add3A_301 : i32 to vector<1x256xi32>
    %add3A_303 = arith.addi %add3A_300, %add3A_302 : vector<1x256xi32>
    %swap3A_304 = arith.constant 1 : index
    %swap3A_305 = arith.constant 0 : index
    %swap3A_306 = vector.load %arg8[%swap3A_304, %swap3A_305] : memref<20x256xi32, #tpu.memory_space<vmem>>, vector<1x256xi32>
    tpu.vector_store %arg8[%swap3A_304, %swap3A_305], %add3A_303 {strides = array<i32>} : memref<20x256xi32, #tpu.memory_space<vmem>>, vector<1x256xi32>,
    %jit3A_307 = arith.constant -2147483648 : i32
    %broadcast_in_dim3A_308 = vector.broadcast %jit3A_307 : i32 to vector<512x256xi32>
    %select_n3A_309 = arith.select %eq3A_282, %broadcast_in_dim3A_308, %select_n3A_277 : vector<512x256xi1>, vector<512x256xi32>
    %reduce_max3A_310 = arith.constant dense<-2147483648> : vector<256xi32>
    %reduce_max3A_311 = vector.multi_reduction <maxsi>, %select_n3A_309, %reduce_max3A_310 [0] : vector<512x256xi32> to vector<256xi32>
    %broadcast_in_dim3A_312 = vector.shape_cast %reduce_max3A_311 : vector<256xi32> to vector<1x256xi32>
    %eq3A_313 = vector.broadcast %broadcast_in_dim3A_312 : vector<1x256xi32> to vector<512x256xi32>
    %eq3A_314 = arith.cmpi eq, %select_n3A_309, %eq3A_313 : vector<512x256xi32>
    %and3A_315 = arith.constant 31 : i32
    %and3A_316 = vector.broadcast %and3A_315 : i32 to vector<1x256xi32>
    %and3A_317 = arith.andi %broadcast_in_dim3A_312, %and3A_316 : vector<1x256xi32>
    %sub3A_318 = arith.constant 31 : i32
    %sub3A_319 = vector.broadcast %sub3A_318 : i32 to vector<1x256xi32>
    %sub3A_320 = arith.subi %sub3A_319, %and3A_317 : vector<1x256xi32>
    %jit3A_321 = arith.constant 1.000000e+00 : f32
    %jit3A_322 = arith.constant 0.000000e+00 : f32
    %broadcast_in_dim3A_323 = vector.broadcast %jit3A_321 : f32 to vector<512x256xf32>
    %broadcast_in_dim3A_324 = vector.broadcast %jit3A_322 : f32 to vector<512x256xf32>
    %select_n3A_325 = arith.select %eq3A_314, %broadcast_in_dim3A_323, %broadcast_in_dim3A_324 : vector<512x256xi1>, vector<512x256xf32>
    %dot_general3A_326 = arith.constant dense<0.000000e+00> : vector<1x256xf32>
    %dot_general3A_327 = tpu.matmul %convert_element_type3A_248, %select_n3A_325, %dot_general3A_326 {dimension_numbers = #tpu.dot_dimension_numbers<[1], [0], [0], [1], [0, 0, 1, 1], [], []>, transpose_lhs_hint = false} : vector<1x512xf32>, vector<512x256xf32>, vector<1x256xf32> -> vector<1x256xf32>
    %mul3A_328 = arith.constant 256 : i32
    %mul3A_329 = vector.broadcast %mul3A_328 : i32 to vector<1x256xi32>
    %mul3A_330 = arith.muli %sub3A_320, %mul3A_329 : vector<1x256xi32>
    %convert_element_type3A_331 = arith.fptosi %dot_general3A_327 : vector<1x256xf32> to vector<1x256xi32>
    %add3A_332 = arith.addi %mul3A_330, %convert_element_type3A_331 : vector<1x256xi32>
    %add3A_333 = arith.constant 100000 : i32
    %add3A_334 = vector.broadcast %add3A_333 : i32 to vector<1x256xi32>
    %add3A_335 = arith.addi %add3A_332, %add3A_334 : vector<1x256xi32>
    %swap3A_336 = arith.constant 2 : index
    %swap3A_337 = arith.constant 0 : index
    %swap3A_338 = vector.load %arg8[%swap3A_336, %swap3A_337] : memref<20x256xi32, #tpu.memory_space<vmem>>, vector<1x256xi32>
    tpu.vector_store %arg8[%swap3A_336, %swap3A_337], %add3A_335 {strides = array<i32>} : memref<20x256xi32, #tpu.memory_space<vmem>>, vector<1x256xi32>,
    %jit3A_339 = arith.constant -2147483648 : i32
    %broadcast_in_dim3A_340 = vector.broadcast %jit3A_339 : i32 to vector<512x256xi32>
    %select_n3A_341 = arith.select %eq3A_314, %broadcast_in_dim3A_340, %select_n3A_309 : vector<512x256xi1>, vector<512x256xi32>
    %reduce_max3A_342 = arith.constant dense<-2147483648> : vector<256xi32>
    %reduce_max3A_343 = vector.multi_reduction <maxsi>, %select_n3A_341, %reduce_max3A_342 [0] : vector<512x256xi32> to vector<256xi32>
    %broadcast_in_dim3A_344 = vector.shape_cast %reduce_max3A_343 : vector<256xi32> to vector<1x256xi32>
    %eq3A_345 = vector.broadcast %broadcast_in_dim3A_344 : vector<1x256xi32> to vector<512x256xi32>
    %eq3A_346 = arith.cmpi eq, %select_n3A_341, %eq3A_345 : vector<512x256xi32>
    %and3A_347 = arith.constant 31 : i32
    %and3A_348 = vector.broadcast %and3A_347 : i32 to vector<1x256xi32>
    %and3A_349 = arith.andi %broadcast_in_dim3A_344, %and3A_348 : vector<1x256xi32>
    %sub3A_350 = arith.constant 31 : i32
    %sub3A_351 = vector.broadcast %sub3A_350 : i32 to vector<1x256xi32>
    %sub3A_352 = arith.subi %sub3A_351, %and3A_349 : vector<1x256xi32>
    %jit3A_353 = arith.constant 1.000000e+00 : f32
    %jit3A_354 = arith.constant 0.000000e+00 : f32
    %broadcast_in_dim3A_355 = vector.broadcast %jit3A_353 : f32 to vector<512x256xf32>
    %broadcast_in_dim3A_356 = vector.broadcast %jit3A_354 : f32 to vector<512x256xf32>
    %select_n3A_357 = arith.select %eq3A_346, %broadcast_in_dim3A_355, %broadcast_in_dim3A_356 : vector<512x256xi1>, vector<512x256xf32>
    %dot_general3A_358 = arith.constant dense<0.000000e+00> : vector<1x256xf32>
    %dot_general3A_359 = tpu.matmul %convert_element_type3A_248, %select_n3A_357, %dot_general3A_358 {dimension_numbers = #tpu.dot_dimension_numbers<[1], [0], [0], [1], [0, 0, 1, 1], [], []>, transpose_lhs_hint = false} : vector<1x512xf32>, vector<512x256xf32>, vector<1x256xf32> -> vector<1x256xf32>
    %mul3A_360 = arith.constant 256 : i32
    %mul3A_361 = vector.broadcast %mul3A_360 : i32 to vector<1x256xi32>
    %mul3A_362 = arith.muli %sub3A_352, %mul3A_361 : vector<1x256xi32>
    %convert_element_type3A_363 = arith.fptosi %dot_general3A_359 : vector<1x256xf32> to vector<1x256xi32>
    %add3A_364 = arith.addi %mul3A_362, %convert_element_type3A_363 : vector<1x256xi32>
    %add3A_365 = arith.constant 100000 : i32
    %add3A_366 = vector.broadcast %add3A_365 : i32 to vector<1x256xi32>
    %add3A_367 = arith.addi %add3A_364, %add3A_366 : vector<1x256xi32>
    %swap3A_368 = arith.constant 3 : index
    %swap3A_369 = arith.constant 0 : index
    %swap3A_370 = vector.load %arg8[%swap3A_368, %swap3A_369] : memref<20x256xi32, #tpu.memory_space<vmem>>, vector<1x256xi32>
    tpu.vector_store %arg8[%swap3A_368, %swap3A_369], %add3A_367 {strides = array<i32>} : memref<20x256xi32, #tpu.memory_space<vmem>>, vector<1x256xi32>,
    %jit3A_371 = arith.constant -2147483648 : i32
    %broadcast_in_dim3A_372 = vector.broadcast %jit3A_371 : i32 to vector<512x256xi32>
    %select_n3A_373 = arith.select %eq3A_346, %broadcast_in_dim3A_372, %select_n3A_341 : vector<512x256xi1>, vector<512x256xi32>
    %reduce_max3A_374 = arith.constant dense<-2147483648> : vector<256xi32>
    %reduce_max3A_375 = vector.multi_reduction <maxsi>, %select_n3A_373, %reduce_max3A_374 [0] : vector<512x256xi32> to vector<256xi32>
    %broadcast_in_dim3A_376 = vector.shape_cast %reduce_max3A_375 : vector<256xi32> to vector<1x256xi32>
    %eq3A_377 = vector.broadcast %broadcast_in_dim3A_376 : vector<1x256xi32> to vector<512x256xi32>
    %eq3A_378 = arith.cmpi eq, %select_n3A_373, %eq3A_377 : vector<512x256xi32>
    %and3A_379 = arith.constant 31 : i32
    %and3A_380 = vector.broadcast %and3A_379 : i32 to vector<1x256xi32>
    %and3A_381 = arith.andi %broadcast_in_dim3A_376, %and3A_380 : vector<1x256xi32>
    %sub3A_382 = arith.constant 31 : i32
    %sub3A_383 = vector.broadcast %sub3A_382 : i32 to vector<1x256xi32>
    %sub3A_384 = arith.subi %sub3A_383, %and3A_381 : vector<1x256xi32>
    %jit3A_385 = arith.constant 1.000000e+00 : f32
    %jit3A_386 = arith.constant 0.000000e+00 : f32
    %broadcast_in_dim3A_387 = vector.broadcast %jit3A_385 : f32 to vector<512x256xf32>
    %broadcast_in_dim3A_388 = vector.broadcast %jit3A_386 : f32 to vector<512x256xf32>
    %select_n3A_389 = arith.select %eq3A_378, %broadcast_in_dim3A_387, %broadcast_in_dim3A_388 : vector<512x256xi1>, vector<512x256xf32>
    %dot_general3A_390 = arith.constant dense<0.000000e+00> : vector<1x256xf32>
    %dot_general3A_391 = tpu.matmul %convert_element_type3A_248, %select_n3A_389, %dot_general3A_390 {dimension_numbers = #tpu.dot_dimension_numbers<[1], [0], [0], [1], [0, 0, 1, 1], [], []>, transpose_lhs_hint = false} : vector<1x512xf32>, vector<512x256xf32>, vector<1x256xf32> -> vector<1x256xf32>
    %mul3A_392 = arith.constant 256 : i32
    %mul3A_393 = vector.broadcast %mul3A_392 : i32 to vector<1x256xi32>
    %mul3A_394 = arith.muli %sub3A_384, %mul3A_393 : vector<1x256xi32>
    %convert_element_type3A_395 = arith.fptosi %dot_general3A_391 : vector<1x256xf32> to vector<1x256xi32>
    %add3A_396 = arith.addi %mul3A_394, %convert_element_type3A_395 : vector<1x256xi32>
    %add3A_397 = arith.constant 100000 : i32
    %add3A_398 = vector.broadcast %add3A_397 : i32 to vector<1x256xi32>
    %add3A_399 = arith.addi %add3A_396, %add3A_398 : vector<1x256xi32>
    %swap3A_400 = arith.constant 4 : index
    %swap3A_401 = arith.constant 0 : index
    %swap3A_402 = vector.load %arg8[%swap3A_400, %swap3A_401] : memref<20x256xi32, #tpu.memory_space<vmem>>, vector<1x256xi32>
    tpu.vector_store %arg8[%swap3A_400, %swap3A_401], %add3A_399 {strides = array<i32>} : memref<20x256xi32, #tpu.memory_space<vmem>>, vector<1x256xi32>,
    %jit3A_403 = arith.constant -2147483648 : i32
    %broadcast_in_dim3A_404 = vector.broadcast %jit3A_403 : i32 to vector<512x256xi32>
    %select_n3A_405 = arith.select %eq3A_378, %broadcast_in_dim3A_404, %select_n3A_373 : vector<512x256xi1>, vector<512x256xi32>
    %reduce_max3A_406 = arith.constant dense<-2147483648> : vector<256xi32>
    %reduce_max3A_407 = vector.multi_reduction <maxsi>, %select_n3A_405, %reduce_max3A_406 [0] : vector<512x256xi32> to vector<256xi32>
    %broadcast_in_dim3A_408 = vector.shape_cast %reduce_max3A_407 : vector<256xi32> to vector<1x256xi32>
    %eq3A_409 = vector.broadcast %broadcast_in_dim3A_408 : vector<1x256xi32> to vector<512x256xi32>
    %eq3A_410 = arith.cmpi eq, %select_n3A_405, %eq3A_409 : vector<512x256xi32>
    %and3A_411 = arith.constant 31 : i32
    %and3A_412 = vector.broadcast %and3A_411 : i32 to vector<1x256xi32>
    %and3A_413 = arith.andi %broadcast_in_dim3A_408, %and3A_412 : vector<1x256xi32>
    %sub3A_414 = arith.constant 31 : i32
    %sub3A_415 = vector.broadcast %sub3A_414 : i32 to vector<1x256xi32>
    %sub3A_416 = arith.subi %sub3A_415, %and3A_413 : vector<1x256xi32>
    %jit3A_417 = arith.constant 1.000000e+00 : f32
    %jit3A_418 = arith.constant 0.000000e+00 : f32
    %broadcast_in_dim3A_419 = vector.broadcast %jit3A_417 : f32 to vector<512x256xf32>
    %broadcast_in_dim3A_420 = vector.broadcast %jit3A_418 : f32 to vector<512x256xf32>
    %select_n3A_421 = arith.select %eq3A_410, %broadcast_in_dim3A_419, %broadcast_in_dim3A_420 : vector<512x256xi1>, vector<512x256xf32>
    %dot_general3A_422 = arith.constant dense<0.000000e+00> : vector<1x256xf32>
    %dot_general3A_423 = tpu.matmul %convert_element_type3A_248, %select_n3A_421, %dot_general3A_422 {dimension_numbers = #tpu.dot_dimension_numbers<[1], [0], [0], [1], [0, 0, 1, 1], [], []>, transpose_lhs_hint = false} : vector<1x512xf32>, vector<512x256xf32>, vector<1x256xf32> -> vector<1x256xf32>
    %mul3A_424 = arith.constant 256 : i32
    %mul3A_425 = vector.broadcast %mul3A_424 : i32 to vector<1x256xi32>
    %mul3A_426 = arith.muli %sub3A_416, %mul3A_425 : vector<1x256xi32>
    %convert_element_type3A_427 = arith.fptosi %dot_general3A_423 : vector<1x256xf32> to vector<1x256xi32>
    %add3A_428 = arith.addi %mul3A_426, %convert_element_type3A_427 : vector<1x256xi32>
    %add3A_429 = arith.constant 100000 : i32
    %add3A_430 = vector.broadcast %add3A_429 : i32 to vector<1x256xi32>
    %add3A_431 = arith.addi %add3A_428, %add3A_430 : vector<1x256xi32>
    %swap3A_432 = arith.constant 5 : index
    %swap3A_433 = arith.constant 0 : index
    %swap3A_434 = vector.load %arg8[%swap3A_432, %swap3A_433] : memref<20x256xi32, #tpu.memory_space<vmem>>, vector<1x256xi32>
    tpu.vector_store %arg8[%swap3A_432, %swap3A_433], %add3A_431 {strides = array<i32>} : memref<20x256xi32, #tpu.memory_space<vmem>>, vector<1x256xi32>,
    %jit3A_435 = arith.constant -2147483648 : i32
    %broadcast_in_dim3A_436 = vector.broadcast %jit3A_435 : i32 to vector<512x256xi32>
    %select_n3A_437 = arith.select %eq3A_410, %broadcast_in_dim3A_436, %select_n3A_405 : vector<512x256xi1>, vector<512x256xi32>
    %reduce_max3A_438 = arith.constant dense<-2147483648> : vector<256xi32>
    %reduce_max3A_439 = vector.multi_reduction <maxsi>, %select_n3A_437, %reduce_max3A_438 [0] : vector<512x256xi32> to vector<256xi32>
    %broadcast_in_dim3A_440 = vector.shape_cast %reduce_max3A_439 : vector<256xi32> to vector<1x256xi32>
    %eq3A_441 = vector.broadcast %broadcast_in_dim3A_440 : vector<1x256xi32> to vector<512x256xi32>
    %eq3A_442 = arith.cmpi eq, %select_n3A_437, %eq3A_441 : vector<512x256xi32>
    %and3A_443 = arith.constant 31 : i32
    %and3A_444 = vector.broadcast %and3A_443 : i32 to vector<1x256xi32>
    %and3A_445 = arith.andi %broadcast_in_dim3A_440, %and3A_444 : vector<1x256xi32>
    %sub3A_446 = arith.constant 31 : i32
    %sub3A_447 = vector.broadcast %sub3A_446 : i32 to vector<1x256xi32>
    %sub3A_448 = arith.subi %sub3A_447, %and3A_445 : vector<1x256xi32>
    %jit3A_449 = arith.constant 1.000000e+00 : f32
    %jit3A_450 = arith.constant 0.000000e+00 : f32
    %broadcast_in_dim3A_451 = vector.broadcast %jit3A_449 : f32 to vector<512x256xf32>
    %broadcast_in_dim3A_452 = vector.broadcast %jit3A_450 : f32 to vector<512x256xf32>
    %select_n3A_453 = arith.select %eq3A_442, %broadcast_in_dim3A_451, %broadcast_in_dim3A_452 : vector<512x256xi1>, vector<512x256xf32>
    %dot_general3A_454 = arith.constant dense<0.000000e+00> : vector<1x256xf32>
    %dot_general3A_455 = tpu.matmul %convert_element_type3A_248, %select_n3A_453, %dot_general3A_454 {dimension_numbers = #tpu.dot_dimension_numbers<[1], [0], [0], [1], [0, 0, 1, 1], [], []>, transpose_lhs_hint = false} : vector<1x512xf32>, vector<512x256xf32>, vector<1x256xf32> -> vector<1x256xf32>
    %mul3A_456 = arith.constant 256 : i32
    %mul3A_457 = vector.broadcast %mul3A_456 : i32 to vector<1x256xi32>
    %mul3A_458 = arith.muli %sub3A_448, %mul3A_457 : vector<1x256xi32>
    %convert_element_type3A_459 = arith.fptosi %dot_general3A_455 : vector<1x256xf32> to vector<1x256xi32>
    %add3A_460 = arith.addi %mul3A_458, %convert_element_type3A_459 : vector<1x256xi32>
    %add3A_461 = arith.constant 100000 : i32
    %add3A_462 = vector.broadcast %add3A_461 : i32 to vector<1x256xi32>
    %add3A_463 = arith.addi %add3A_460, %add3A_462 : vector<1x256xi32>
    %swap3A_464 = arith.constant 6 : index
    %swap3A_465 = arith.constant 0 : index
    %swap3A_466 = vector.load %arg8[%swap3A_464, %swap3A_465] : memref<20x256xi32, #tpu.memory_space<vmem>>, vector<1x256xi32>
    tpu.vector_store %arg8[%swap3A_464, %swap3A_465], %add3A_463 {strides = array<i32>} : memref<20x256xi32, #tpu.memory_space<vmem>>, vector<1x256xi32>,
    %jit3A_467 = arith.constant -2147483648 : i32
    %broadcast_in_dim3A_468 = vector.broadcast %jit3A_467 : i32 to vector<512x256xi32>
    %select_n3A_469 = arith.select %eq3A_442, %broadcast_in_dim3A_468, %select_n3A_437 : vector<512x256xi1>, vector<512x256xi32>
    %reduce_max3A_470 = arith.constant dense<-2147483648> : vector<256xi32>
    %reduce_max3A_471 = vector.multi_reduction <maxsi>, %select_n3A_469, %reduce_max3A_470 [0] : vector<512x256xi32> to vector<256xi32>
    %broadcast_in_dim3A_472 = vector.shape_cast %reduce_max3A_471 : vector<256xi32> to vector<1x256xi32>
    %eq3A_473 = vector.broadcast %broadcast_in_dim3A_472 : vector<1x256xi32> to vector<512x256xi32>
    %eq3A_474 = arith.cmpi eq, %select_n3A_469, %eq3A_473 : vector<512x256xi32>
    %and3A_475 = arith.constant 31 : i32
    %and3A_476 = vector.broadcast %and3A_475 : i32 to vector<1x256xi32>
    %and3A_477 = arith.andi %broadcast_in_dim3A_472, %and3A_476 : vector<1x256xi32>
    %sub3A_478 = arith.constant 31 : i32
    %sub3A_479 = vector.broadcast %sub3A_478 : i32 to vector<1x256xi32>
    %sub3A_480 = arith.subi %sub3A_479, %and3A_477 : vector<1x256xi32>
    %jit3A_481 = arith.constant 1.000000e+00 : f32
    %jit3A_482 = arith.constant 0.000000e+00 : f32
    %broadcast_in_dim3A_483 = vector.broadcast %jit3A_481 : f32 to vector<512x256xf32>
    %broadcast_in_dim3A_484 = vector.broadcast %jit3A_482 : f32 to vector<512x256xf32>
    %select_n3A_485 = arith.select %eq3A_474, %broadcast_in_dim3A_483, %broadcast_in_dim3A_484 : vector<512x256xi1>, vector<512x256xf32>
    %dot_general3A_486 = arith.constant dense<0.000000e+00> : vector<1x256xf32>
    %dot_general3A_487 = tpu.matmul %convert_element_type3A_248, %select_n3A_485, %dot_general3A_486 {dimension_numbers = #tpu.dot_dimension_numbers<[1], [0], [0], [1], [0, 0, 1, 1], [], []>, transpose_lhs_hint = false} : vector<1x512xf32>, vector<512x256xf32>, vector<1x256xf32> -> vector<1x256xf32>
    %mul3A_488 = arith.constant 256 : i32
    %mul3A_489 = vector.broadcast %mul3A_488 : i32 to vector<1x256xi32>
    %mul3A_490 = arith.muli %sub3A_480, %mul3A_489 : vector<1x256xi32>
    %convert_element_type3A_491 = arith.fptosi %dot_general3A_487 : vector<1x256xf32> to vector<1x256xi32>
    %add3A_492 = arith.addi %mul3A_490, %convert_element_type3A_491 : vector<1x256xi32>
    %add3A_493 = arith.constant 100000 : i32
    %add3A_494 = vector.broadcast %add3A_493 : i32 to vector<1x256xi32>
    %add3A_495 = arith.addi %add3A_492, %add3A_494 : vector<1x256xi32>
    %swap3A_496 = arith.constant 7 : index
    %swap3A_497 = arith.constant 0 : index
    %swap3A_498 = vector.load %arg8[%swap3A_496, %swap3A_497] : memref<20x256xi32, #tpu.memory_space<vmem>>, vector<1x256xi32>
    tpu.vector_store %arg8[%swap3A_496, %swap3A_497], %add3A_495 {strides = array<i32>} : memref<20x256xi32, #tpu.memory_space<vmem>>, vector<1x256xi32>,
    %jit3A_499 = arith.constant -2147483648 : i32
    %broadcast_in_dim3A_500 = vector.broadcast %jit3A_499 : i32 to vector<512x256xi32>
    %select_n3A_501 = arith.select %eq3A_474, %broadcast_in_dim3A_500, %select_n3A_469 : vector<512x256xi1>, vector<512x256xi32>
    %reduce_max3A_502 = arith.constant dense<-2147483648> : vector<256xi32>
    %reduce_max3A_503 = vector.multi_reduction <maxsi>, %select_n3A_501, %reduce_max3A_502 [0] : vector<512x256xi32> to vector<256xi32>
    %broadcast_in_dim3A_504 = vector.shape_cast %reduce_max3A_503 : vector<256xi32> to vector<1x256xi32>
    %eq3A_505 = vector.broadcast %broadcast_in_dim3A_504 : vector<1x256xi32> to vector<512x256xi32>
    %eq3A_506 = arith.cmpi eq, %select_n3A_501, %eq3A_505 : vector<512x256xi32>
    %and3A_507 = arith.constant 31 : i32
    %and3A_508 = vector.broadcast %and3A_507 : i32 to vector<1x256xi32>
    %and3A_509 = arith.andi %broadcast_in_dim3A_504, %and3A_508 : vector<1x256xi32>
    %sub3A_510 = arith.constant 31 : i32
    %sub3A_511 = vector.broadcast %sub3A_510 : i32 to vector<1x256xi32>
    %sub3A_512 = arith.subi %sub3A_511, %and3A_509 : vector<1x256xi32>
    %jit3A_513 = arith.constant 1.000000e+00 : f32
    %jit3A_514 = arith.constant 0.000000e+00 : f32
    %broadcast_in_dim3A_515 = vector.broadcast %jit3A_513 : f32 to vector<512x256xf32>
    %broadcast_in_dim3A_516 = vector.broadcast %jit3A_514 : f32 to vector<512x256xf32>
    %select_n3A_517 = arith.select %eq3A_506, %broadcast_in_dim3A_515, %broadcast_in_dim3A_516 : vector<512x256xi1>, vector<512x256xf32>
    %dot_general3A_518 = arith.constant dense<0.000000e+00> : vector<1x256xf32>
    %dot_general3A_519 = tpu.matmul %convert_element_type3A_248, %select_n3A_517, %dot_general3A_518 {dimension_numbers = #tpu.dot_dimension_numbers<[1], [0], [0], [1], [0, 0, 1, 1], [], []>, transpose_lhs_hint = false} : vector<1x512xf32>, vector<512x256xf32>, vector<1x256xf32> -> vector<1x256xf32>
    %mul3A_520 = arith.constant 256 : i32
    %mul3A_521 = vector.broadcast %mul3A_520 : i32 to vector<1x256xi32>
    %mul3A_522 = arith.muli %sub3A_512, %mul3A_521 : vector<1x256xi32>
    %convert_element_type3A_523 = arith.fptosi %dot_general3A_519 : vector<1x256xf32> to vector<1x256xi32>
    %add3A_524 = arith.addi %mul3A_522, %convert_element_type3A_523 : vector<1x256xi32>
    %add3A_525 = arith.constant 100000 : i32
    %add3A_526 = vector.broadcast %add3A_525 : i32 to vector<1x256xi32>
    %add3A_527 = arith.addi %add3A_524, %add3A_526 : vector<1x256xi32>
    %swap3A_528 = arith.constant 8 : index
    %swap3A_529 = arith.constant 0 : index
    %swap3A_530 = vector.load %arg8[%swap3A_528, %swap3A_529] : memref<20x256xi32, #tpu.memory_space<vmem>>, vector<1x256xi32>
    tpu.vector_store %arg8[%swap3A_528, %swap3A_529], %add3A_527 {strides = array<i32>} : memref<20x256xi32, #tpu.memory_space<vmem>>, vector<1x256xi32>,
    %jit3A_531 = arith.constant -2147483648 : i32
    %broadcast_in_dim3A_532 = vector.broadcast %jit3A_531 : i32 to vector<512x256xi32>
    %select_n3A_533 = arith.select %eq3A_506, %broadcast_in_dim3A_532, %select_n3A_501 : vector<512x256xi1>, vector<512x256xi32>
    %reduce_max3A_534 = arith.constant dense<-2147483648> : vector<256xi32>
    %reduce_max3A_535 = vector.multi_reduction <maxsi>, %select_n3A_533, %reduce_max3A_534 [0] : vector<512x256xi32> to vector<256xi32>
    %broadcast_in_dim3A_536 = vector.shape_cast %reduce_max3A_535 : vector<256xi32> to vector<1x256xi32>
    %eq3A_537 = vector.broadcast %broadcast_in_dim3A_536 : vector<1x256xi32> to vector<512x256xi32>
    %eq3A_538 = arith.cmpi eq, %select_n3A_533, %eq3A_537 : vector<512x256xi32>
    %and3A_539 = arith.constant 31 : i32
    %and3A_540 = vector.broadcast %and3A_539 : i32 to vector<1x256xi32>
    %and3A_541 = arith.andi %broadcast_in_dim3A_536, %and3A_540 : vector<1x256xi32>
    %sub3A_542 = arith.constant 31 : i32
    %sub3A_543 = vector.broadcast %sub3A_542 : i32 to vector<1x256xi32>
    %sub3A_544 = arith.subi %sub3A_543, %and3A_541 : vector<1x256xi32>
    %jit3A_545 = arith.constant 1.000000e+00 : f32
    %jit3A_546 = arith.constant 0.000000e+00 : f32
    %broadcast_in_dim3A_547 = vector.broadcast %jit3A_545 : f32 to vector<512x256xf32>
    %broadcast_in_dim3A_548 = vector.broadcast %jit3A_546 : f32 to vector<512x256xf32>
    %select_n3A_549 = arith.select %eq3A_538, %broadcast_in_dim3A_547, %broadcast_in_dim3A_548 : vector<512x256xi1>, vector<512x256xf32>
    %dot_general3A_550 = arith.constant dense<0.000000e+00> : vector<1x256xf32>
    %dot_general3A_551 = tpu.matmul %convert_element_type3A_248, %select_n3A_549, %dot_general3A_550 {dimension_numbers = #tpu.dot_dimension_numbers<[1], [0], [0], [1], [0, 0, 1, 1], [], []>, transpose_lhs_hint = false} : vector<1x512xf32>, vector<512x256xf32>, vector<1x256xf32> -> vector<1x256xf32>
    %mul3A_552 = arith.constant 256 : i32
    %mul3A_553 = vector.broadcast %mul3A_552 : i32 to vector<1x256xi32>
    %mul3A_554 = arith.muli %sub3A_544, %mul3A_553 : vector<1x256xi32>
    %convert_element_type3A_555 = arith.fptosi %dot_general3A_551 : vector<1x256xf32> to vector<1x256xi32>
    %add3A_556 = arith.addi %mul3A_554, %convert_element_type3A_555 : vector<1x256xi32>
    %add3A_557 = arith.constant 100000 : i32
    %add3A_558 = vector.broadcast %add3A_557 : i32 to vector<1x256xi32>
    %add3A_559 = arith.addi %add3A_556, %add3A_558 : vector<1x256xi32>
    %swap3A_560 = arith.constant 9 : index
    %swap3A_561 = arith.constant 0 : index
    %swap3A_562 = vector.load %arg8[%swap3A_560, %swap3A_561] : memref<20x256xi32, #tpu.memory_space<vmem>>, vector<1x256xi32>
    tpu.vector_store %arg8[%swap3A_560, %swap3A_561], %add3A_559 {strides = array<i32>} : memref<20x256xi32, #tpu.memory_space<vmem>>, vector<1x256xi32>,
    %jit3A_563 = arith.constant -2147483648 : i32
    %broadcast_in_dim3A_564 = vector.broadcast %jit3A_563 : i32 to vector<512x256xi32>
    %select_n3A_565 = arith.select %eq3A_538, %broadcast_in_dim3A_564, %select_n3A_533 : vector<512x256xi1>, vector<512x256xi32>
    %reduce_max3A_566 = arith.constant dense<-2147483648> : vector<256xi32>
    %reduce_max3A_567 = vector.multi_reduction <maxsi>, %select_n3A_565, %reduce_max3A_566 [0] : vector<512x256xi32> to vector<256xi32>
    %broadcast_in_dim3A_568 = vector.shape_cast %reduce_max3A_567 : vector<256xi32> to vector<1x256xi32>
    %eq3A_569 = vector.broadcast %broadcast_in_dim3A_568 : vector<1x256xi32> to vector<512x256xi32>
    %eq3A_570 = arith.cmpi eq, %select_n3A_565, %eq3A_569 : vector<512x256xi32>
    %and3A_571 = arith.constant 31 : i32
    %and3A_572 = vector.broadcast %and3A_571 : i32 to vector<1x256xi32>
    %and3A_573 = arith.andi %broadcast_in_dim3A_568, %and3A_572 : vector<1x256xi32>
    %sub3A_574 = arith.constant 31 : i32
    %sub3A_575 = vector.broadcast %sub3A_574 : i32 to vector<1x256xi32>
    %sub3A_576 = arith.subi %sub3A_575, %and3A_573 : vector<1x256xi32>
    %jit3A_577 = arith.constant 1.000000e+00 : f32
    %jit3A_578 = arith.constant 0.000000e+00 : f32
    %broadcast_in_dim3A_579 = vector.broadcast %jit3A_577 : f32 to vector<512x256xf32>
    %broadcast_in_dim3A_580 = vector.broadcast %jit3A_578 : f32 to vector<512x256xf32>
    %select_n3A_581 = arith.select %eq3A_570, %broadcast_in_dim3A_579, %broadcast_in_dim3A_580 : vector<512x256xi1>, vector<512x256xf32>
    %dot_general3A_582 = arith.constant dense<0.000000e+00> : vector<1x256xf32>
    %dot_general3A_583 = tpu.matmul %convert_element_type3A_248, %select_n3A_581, %dot_general3A_582 {dimension_numbers = #tpu.dot_dimension_numbers<[1], [0], [0], [1], [0, 0, 1, 1], [], []>, transpose_lhs_hint = false} : vector<1x512xf32>, vector<512x256xf32>, vector<1x256xf32> -> vector<1x256xf32>
    %mul3A_584 = arith.constant 256 : i32
    %mul3A_585 = vector.broadcast %mul3A_584 : i32 to vector<1x256xi32>
    %mul3A_586 = arith.muli %sub3A_576, %mul3A_585 : vector<1x256xi32>
    %convert_element_type3A_587 = arith.fptosi %dot_general3A_583 : vector<1x256xf32> to vector<1x256xi32>
    %add3A_588 = arith.addi %mul3A_586, %convert_element_type3A_587 : vector<1x256xi32>
    %add3A_589 = arith.constant 100000 : i32
    %add3A_590 = vector.broadcast %add3A_589 : i32 to vector<1x256xi32>
    %add3A_591 = arith.addi %add3A_588, %add3A_590 : vector<1x256xi32>
    %swap3A_592 = arith.constant 10 : index
    %swap3A_593 = arith.constant 0 : index
    %swap3A_594 = vector.load %arg8[%swap3A_592, %swap3A_593] : memref<20x256xi32, #tpu.memory_space<vmem>>, vector<1x256xi32>
    tpu.vector_store %arg8[%swap3A_592, %swap3A_593], %add3A_591 {strides = array<i32>} : memref<20x256xi32, #tpu.memory_space<vmem>>, vector<1x256xi32>,
    %jit3A_595 = arith.constant -2147483648 : i32
    %broadcast_in_dim3A_596 = vector.broadcast %jit3A_595 : i32 to vector<512x256xi32>
    %select_n3A_597 = arith.select %eq3A_570, %broadcast_in_dim3A_596, %select_n3A_565 : vector<512x256xi1>, vector<512x256xi32>
    %reduce_max3A_598 = arith.constant dense<-2147483648> : vector<256xi32>
    %reduce_max3A_599 = vector.multi_reduction <maxsi>, %select_n3A_597, %reduce_max3A_598 [0] : vector<512x256xi32> to vector<256xi32>
    %broadcast_in_dim3A_600 = vector.shape_cast %reduce_max3A_599 : vector<256xi32> to vector<1x256xi32>
    %eq3A_601 = vector.broadcast %broadcast_in_dim3A_600 : vector<1x256xi32> to vector<512x256xi32>
    %eq3A_602 = arith.cmpi eq, %select_n3A_597, %eq3A_601 : vector<512x256xi32>
    %and3A_603 = arith.constant 31 : i32
    %and3A_604 = vector.broadcast %and3A_603 : i32 to vector<1x256xi32>
    %and3A_605 = arith.andi %broadcast_in_dim3A_600, %and3A_604 : vector<1x256xi32>
    %sub3A_606 = arith.constant 31 : i32
    %sub3A_607 = vector.broadcast %sub3A_606 : i32 to vector<1x256xi32>
    %sub3A_608 = arith.subi %sub3A_607, %and3A_605 : vector<1x256xi32>
    %jit3A_609 = arith.constant 1.000000e+00 : f32
    %jit3A_610 = arith.constant 0.000000e+00 : f32
    %broadcast_in_dim3A_611 = vector.broadcast %jit3A_609 : f32 to vector<512x256xf32>
    %broadcast_in_dim3A_612 = vector.broadcast %jit3A_610 : f32 to vector<512x256xf32>
    %select_n3A_613 = arith.select %eq3A_602, %broadcast_in_dim3A_611, %broadcast_in_dim3A_612 : vector<512x256xi1>, vector<512x256xf32>
    %dot_general3A_614 = arith.constant dense<0.000000e+00> : vector<1x256xf32>
    %dot_general3A_615 = tpu.matmul %convert_element_type3A_248, %select_n3A_613, %dot_general3A_614 {dimension_numbers = #tpu.dot_dimension_numbers<[1], [0], [0], [1], [0, 0, 1, 1], [], []>, transpose_lhs_hint = false} : vector<1x512xf32>, vector<512x256xf32>, vector<1x256xf32> -> vector<1x256xf32>
    %mul3A_616 = arith.constant 256 : i32
    %mul3A_617 = vector.broadcast %mul3A_616 : i32 to vector<1x256xi32>
    %mul3A_618 = arith.muli %sub3A_608, %mul3A_617 : vector<1x256xi32>
    %convert_element_type3A_619 = arith.fptosi %dot_general3A_615 : vector<1x256xf32> to vector<1x256xi32>
    %add3A_620 = arith.addi %mul3A_618, %convert_element_type3A_619 : vector<1x256xi32>
    %add3A_621 = arith.constant 100000 : i32
    %add3A_622 = vector.broadcast %add3A_621 : i32 to vector<1x256xi32>
    %add3A_623 = arith.addi %add3A_620, %add3A_622 : vector<1x256xi32>
    %swap3A_624 = arith.constant 11 : index
    %swap3A_625 = arith.constant 0 : index
    %swap3A_626 = vector.load %arg8[%swap3A_624, %swap3A_625] : memref<20x256xi32, #tpu.memory_space<vmem>>, vector<1x256xi32>
    tpu.vector_store %arg8[%swap3A_624, %swap3A_625], %add3A_623 {strides = array<i32>} : memref<20x256xi32, #tpu.memory_space<vmem>>, vector<1x256xi32>,
    %jit3A_627 = arith.constant -2147483648 : i32
    %broadcast_in_dim3A_628 = vector.broadcast %jit3A_627 : i32 to vector<512x256xi32>
    %select_n3A_629 = arith.select %eq3A_602, %broadcast_in_dim3A_628, %select_n3A_597 : vector<512x256xi1>, vector<512x256xi32>
    %reduce_max3A_630 = arith.constant dense<-2147483648> : vector<256xi32>
    %reduce_max3A_631 = vector.multi_reduction <maxsi>, %select_n3A_629, %reduce_max3A_630 [0] : vector<512x256xi32> to vector<256xi32>
    %broadcast_in_dim3A_632 = vector.shape_cast %reduce_max3A_631 : vector<256xi32> to vector<1x256xi32>
    %eq3A_633 = vector.broadcast %broadcast_in_dim3A_632 : vector<1x256xi32> to vector<512x256xi32>
    %eq3A_634 = arith.cmpi eq, %select_n3A_629, %eq3A_633 : vector<512x256xi32>
    %and3A_635 = arith.constant 31 : i32
    %and3A_636 = vector.broadcast %and3A_635 : i32 to vector<1x256xi32>
    %and3A_637 = arith.andi %broadcast_in_dim3A_632, %and3A_636 : vector<1x256xi32>
    %sub3A_638 = arith.constant 31 : i32
    %sub3A_639 = vector.broadcast %sub3A_638 : i32 to vector<1x256xi32>
    %sub3A_640 = arith.subi %sub3A_639, %and3A_637 : vector<1x256xi32>
    %jit3A_641 = arith.constant 1.000000e+00 : f32
    %jit3A_642 = arith.constant 0.000000e+00 : f32
    %broadcast_in_dim3A_643 = vector.broadcast %jit3A_641 : f32 to vector<512x256xf32>
    %broadcast_in_dim3A_644 = vector.broadcast %jit3A_642 : f32 to vector<512x256xf32>
    %select_n3A_645 = arith.select %eq3A_634, %broadcast_in_dim3A_643, %broadcast_in_dim3A_644 : vector<512x256xi1>, vector<512x256xf32>
    %dot_general3A_646 = arith.constant dense<0.000000e+00> : vector<1x256xf32>
    %dot_general3A_647 = tpu.matmul %convert_element_type3A_248, %select_n3A_645, %dot_general3A_646 {dimension_numbers = #tpu.dot_dimension_numbers<[1], [0], [0], [1], [0, 0, 1, 1], [], []>, transpose_lhs_hint = false} : vector<1x512xf32>, vector<512x256xf32>, vector<1x256xf32> -> vector<1x256xf32>
    %mul3A_648 = arith.constant 256 : i32
    %mul3A_649 = vector.broadcast %mul3A_648 : i32 to vector<1x256xi32>
    %mul3A_650 = arith.muli %sub3A_640, %mul3A_649 : vector<1x256xi32>
    %convert_element_type3A_651 = arith.fptosi %dot_general3A_647 : vector<1x256xf32> to vector<1x256xi32>
    %add3A_652 = arith.addi %mul3A_650, %convert_element_type3A_651 : vector<1x256xi32>
    %add3A_653 = arith.constant 100000 : i32
    %add3A_654 = vector.broadcast %add3A_653 : i32 to vector<1x256xi32>
    %add3A_655 = arith.addi %add3A_652, %add3A_654 : vector<1x256xi32>
    %swap3A_656 = arith.constant 12 : index
    %swap3A_657 = arith.constant 0 : index
    %swap3A_658 = vector.load %arg8[%swap3A_656, %swap3A_657] : memref<20x256xi32, #tpu.memory_space<vmem>>, vector<1x256xi32>
    tpu.vector_store %arg8[%swap3A_656, %swap3A_657], %add3A_655 {strides = array<i32>} : memref<20x256xi32, #tpu.memory_space<vmem>>, vector<1x256xi32>,
    %jit3A_659 = arith.constant -2147483648 : i32
    %broadcast_in_dim3A_660 = vector.broadcast %jit3A_659 : i32 to vector<512x256xi32>
    %select_n3A_661 = arith.select %eq3A_634, %broadcast_in_dim3A_660, %select_n3A_629 : vector<512x256xi1>, vector<512x256xi32>
    %reduce_max3A_662 = arith.constant dense<-2147483648> : vector<256xi32>
    %reduce_max3A_663 = vector.multi_reduction <maxsi>, %select_n3A_661, %reduce_max3A_662 [0] : vector<512x256xi32> to vector<256xi32>
    %broadcast_in_dim3A_664 = vector.shape_cast %reduce_max3A_663 : vector<256xi32> to vector<1x256xi32>
    %eq3A_665 = vector.broadcast %broadcast_in_dim3A_664 : vector<1x256xi32> to vector<512x256xi32>
    %eq3A_666 = arith.cmpi eq, %select_n3A_661, %eq3A_665 : vector<512x256xi32>
    %and3A_667 = arith.constant 31 : i32
    %and3A_668 = vector.broadcast %and3A_667 : i32 to vector<1x256xi32>
    %and3A_669 = arith.andi %broadcast_in_dim3A_664, %and3A_668 : vector<1x256xi32>
    %sub3A_670 = arith.constant 31 : i32
    %sub3A_671 = vector.broadcast %sub3A_670 : i32 to vector<1x256xi32>
    %sub3A_672 = arith.subi %sub3A_671, %and3A_669 : vector<1x256xi32>
    %jit3A_673 = arith.constant 1.000000e+00 : f32
    %jit3A_674 = arith.constant 0.000000e+00 : f32
    %broadcast_in_dim3A_675 = vector.broadcast %jit3A_673 : f32 to vector<512x256xf32>
    %broadcast_in_dim3A_676 = vector.broadcast %jit3A_674 : f32 to vector<512x256xf32>
    %select_n3A_677 = arith.select %eq3A_666, %broadcast_in_dim3A_675, %broadcast_in_dim3A_676 : vector<512x256xi1>, vector<512x256xf32>
    %dot_general3A_678 = arith.constant dense<0.000000e+00> : vector<1x256xf32>
    %dot_general3A_679 = tpu.matmul %convert_element_type3A_248, %select_n3A_677, %dot_general3A_678 {dimension_numbers = #tpu.dot_dimension_numbers<[1], [0], [0], [1], [0, 0, 1, 1], [], []>, transpose_lhs_hint = false} : vector<1x512xf32>, vector<512x256xf32>, vector<1x256xf32> -> vector<1x256xf32>
    %mul3A_680 = arith.constant 256 : i32
    %mul3A_681 = vector.broadcast %mul3A_680 : i32 to vector<1x256xi32>
    %mul3A_682 = arith.muli %sub3A_672, %mul3A_681 : vector<1x256xi32>
    %convert_element_type3A_683 = arith.fptosi %dot_general3A_679 : vector<1x256xf32> to vector<1x256xi32>
    %add3A_684 = arith.addi %mul3A_682, %convert_element_type3A_683 : vector<1x256xi32>
    %add3A_685 = arith.constant 100000 : i32
    %add3A_686 = vector.broadcast %add3A_685 : i32 to vector<1x256xi32>
    %add3A_687 = arith.addi %add3A_684, %add3A_686 : vector<1x256xi32>
    %swap3A_688 = arith.constant 13 : index
    %swap3A_689 = arith.constant 0 : index
    %swap3A_690 = vector.load %arg8[%swap3A_688, %swap3A_689] : memref<20x256xi32, #tpu.memory_space<vmem>>, vector<1x256xi32>
    tpu.vector_store %arg8[%swap3A_688, %swap3A_689], %add3A_687 {strides = array<i32>} : memref<20x256xi32, #tpu.memory_space<vmem>>, vector<1x256xi32>,
    %jit3A_691 = arith.constant -2147483648 : i32
    %broadcast_in_dim3A_692 = vector.broadcast %jit3A_691 : i32 to vector<512x256xi32>
    %select_n3A_693 = arith.select %eq3A_666, %broadcast_in_dim3A_692, %select_n3A_661 : vector<512x256xi1>, vector<512x256xi32>
    %reduce_max3A_694 = arith.constant dense<-2147483648> : vector<256xi32>
    %reduce_max3A_695 = vector.multi_reduction <maxsi>, %select_n3A_693, %reduce_max3A_694 [0] : vector<512x256xi32> to vector<256xi32>
    %broadcast_in_dim3A_696 = vector.shape_cast %reduce_max3A_695 : vector<256xi32> to vector<1x256xi32>
    %eq3A_697 = vector.broadcast %broadcast_in_dim3A_696 : vector<1x256xi32> to vector<512x256xi32>
    %eq3A_698 = arith.cmpi eq, %select_n3A_693, %eq3A_697 : vector<512x256xi32>
    %and3A_699 = arith.constant 31 : i32
    %and3A_700 = vector.broadcast %and3A_699 : i32 to vector<1x256xi32>
    %and3A_701 = arith.andi %broadcast_in_dim3A_696, %and3A_700 : vector<1x256xi32>
    %sub3A_702 = arith.constant 31 : i32
    %sub3A_703 = vector.broadcast %sub3A_702 : i32 to vector<1x256xi32>
    %sub3A_704 = arith.subi %sub3A_703, %and3A_701 : vector<1x256xi32>
    %jit3A_705 = arith.constant 1.000000e+00 : f32
    %jit3A_706 = arith.constant 0.000000e+00 : f32
    %broadcast_in_dim3A_707 = vector.broadcast %jit3A_705 : f32 to vector<512x256xf32>
    %broadcast_in_dim3A_708 = vector.broadcast %jit3A_706 : f32 to vector<512x256xf32>
    %select_n3A_709 = arith.select %eq3A_698, %broadcast_in_dim3A_707, %broadcast_in_dim3A_708 : vector<512x256xi1>, vector<512x256xf32>
    %dot_general3A_710 = arith.constant dense<0.000000e+00> : vector<1x256xf32>
    %dot_general3A_711 = tpu.matmul %convert_element_type3A_248, %select_n3A_709, %dot_general3A_710 {dimension_numbers = #tpu.dot_dimension_numbers<[1], [0], [0], [1], [0, 0, 1, 1], [], []>, transpose_lhs_hint = false} : vector<1x512xf32>, vector<512x256xf32>, vector<1x256xf32> -> vector<1x256xf32>
    %mul3A_712 = arith.constant 256 : i32
    %mul3A_713 = vector.broadcast %mul3A_712 : i32 to vector<1x256xi32>
    %mul3A_714 = arith.muli %sub3A_704, %mul3A_713 : vector<1x256xi32>
    %convert_element_type3A_715 = arith.fptosi %dot_general3A_711 : vector<1x256xf32> to vector<1x256xi32>
    %add3A_716 = arith.addi %mul3A_714, %convert_element_type3A_715 : vector<1x256xi32>
    %add3A_717 = arith.constant 100000 : i32
    %add3A_718 = vector.broadcast %add3A_717 : i32 to vector<1x256xi32>
    %add3A_719 = arith.addi %add3A_716, %add3A_718 : vector<1x256xi32>
    %swap3A_720 = arith.constant 14 : index
    %swap3A_721 = arith.constant 0 : index
    %swap3A_722 = vector.load %arg8[%swap3A_720, %swap3A_721] : memref<20x256xi32, #tpu.memory_space<vmem>>, vector<1x256xi32>
    tpu.vector_store %arg8[%swap3A_720, %swap3A_721], %add3A_719 {strides = array<i32>} : memref<20x256xi32, #tpu.memory_space<vmem>>, vector<1x256xi32>,
    %jit3A_723 = arith.constant -2147483648 : i32
    %broadcast_in_dim3A_724 = vector.broadcast %jit3A_723 : i32 to vector<512x256xi32>
    %select_n3A_725 = arith.select %eq3A_698, %broadcast_in_dim3A_724, %select_n3A_693 : vector<512x256xi1>, vector<512x256xi32>
    %reduce_max3A_726 = arith.constant dense<-2147483648> : vector<256xi32>
    %reduce_max3A_727 = vector.multi_reduction <maxsi>, %select_n3A_725, %reduce_max3A_726 [0] : vector<512x256xi32> to vector<256xi32>
    %broadcast_in_dim3A_728 = vector.shape_cast %reduce_max3A_727 : vector<256xi32> to vector<1x256xi32>
    %eq3A_729 = vector.broadcast %broadcast_in_dim3A_728 : vector<1x256xi32> to vector<512x256xi32>
    %eq3A_730 = arith.cmpi eq, %select_n3A_725, %eq3A_729 : vector<512x256xi32>
    %and3A_731 = arith.constant 31 : i32
    %and3A_732 = vector.broadcast %and3A_731 : i32 to vector<1x256xi32>
    %and3A_733 = arith.andi %broadcast_in_dim3A_728, %and3A_732 : vector<1x256xi32>
    %sub3A_734 = arith.constant 31 : i32
    %sub3A_735 = vector.broadcast %sub3A_734 : i32 to vector<1x256xi32>
    %sub3A_736 = arith.subi %sub3A_735, %and3A_733 : vector<1x256xi32>
    %jit3A_737 = arith.constant 1.000000e+00 : f32
    %jit3A_738 = arith.constant 0.000000e+00 : f32
    %broadcast_in_dim3A_739 = vector.broadcast %jit3A_737 : f32 to vector<512x256xf32>
    %broadcast_in_dim3A_740 = vector.broadcast %jit3A_738 : f32 to vector<512x256xf32>
    %select_n3A_741 = arith.select %eq3A_730, %broadcast_in_dim3A_739, %broadcast_in_dim3A_740 : vector<512x256xi1>, vector<512x256xf32>
    %dot_general3A_742 = arith.constant dense<0.000000e+00> : vector<1x256xf32>
    %dot_general3A_743 = tpu.matmul %convert_element_type3A_248, %select_n3A_741, %dot_general3A_742 {dimension_numbers = #tpu.dot_dimension_numbers<[1], [0], [0], [1], [0, 0, 1, 1], [], []>, transpose_lhs_hint = false} : vector<1x512xf32>, vector<512x256xf32>, vector<1x256xf32> -> vector<1x256xf32>
    %mul3A_744 = arith.constant 256 : i32
    %mul3A_745 = vector.broadcast %mul3A_744 : i32 to vector<1x256xi32>
    %mul3A_746 = arith.muli %sub3A_736, %mul3A_745 : vector<1x256xi32>
    %convert_element_type3A_747 = arith.fptosi %dot_general3A_743 : vector<1x256xf32> to vector<1x256xi32>
    %add3A_748 = arith.addi %mul3A_746, %convert_element_type3A_747 : vector<1x256xi32>
    %add3A_749 = arith.constant 100000 : i32
    %add3A_750 = vector.broadcast %add3A_749 : i32 to vector<1x256xi32>
    %add3A_751 = arith.addi %add3A_748, %add3A_750 : vector<1x256xi32>
    %swap3A_752 = arith.constant 15 : index
    %swap3A_753 = arith.constant 0 : index
    %swap3A_754 = vector.load %arg8[%swap3A_752, %swap3A_753] : memref<20x256xi32, #tpu.memory_space<vmem>>, vector<1x256xi32>
    tpu.vector_store %arg8[%swap3A_752, %swap3A_753], %add3A_751 {strides = array<i32>} : memref<20x256xi32, #tpu.memory_space<vmem>>, vector<1x256xi32>,
    %jit3A_755 = arith.constant -2147483648 : i32
    %broadcast_in_dim3A_756 = vector.broadcast %jit3A_755 : i32 to vector<512x256xi32>
    %select_n3A_757 = arith.select %eq3A_730, %broadcast_in_dim3A_756, %select_n3A_725 : vector<512x256xi1>, vector<512x256xi32>
    %reduce_max3A_758 = arith.constant dense<-2147483648> : vector<256xi32>
    %reduce_max3A_759 = vector.multi_reduction <maxsi>, %select_n3A_757, %reduce_max3A_758 [0] : vector<512x256xi32> to vector<256xi32>
    %broadcast_in_dim3A_760 = vector.shape_cast %reduce_max3A_759 : vector<256xi32> to vector<1x256xi32>
    %eq3A_761 = vector.broadcast %broadcast_in_dim3A_760 : vector<1x256xi32> to vector<512x256xi32>
    %eq3A_762 = arith.cmpi eq, %select_n3A_757, %eq3A_761 : vector<512x256xi32>
    %and3A_763 = arith.constant 31 : i32
    %and3A_764 = vector.broadcast %and3A_763 : i32 to vector<1x256xi32>
    %and3A_765 = arith.andi %broadcast_in_dim3A_760, %and3A_764 : vector<1x256xi32>
    %sub3A_766 = arith.constant 31 : i32
    %sub3A_767 = vector.broadcast %sub3A_766 : i32 to vector<1x256xi32>
    %sub3A_768 = arith.subi %sub3A_767, %and3A_765 : vector<1x256xi32>
    %jit3A_769 = arith.constant 1.000000e+00 : f32
    %jit3A_770 = arith.constant 0.000000e+00 : f32
    %broadcast_in_dim3A_771 = vector.broadcast %jit3A_769 : f32 to vector<512x256xf32>
    %broadcast_in_dim3A_772 = vector.broadcast %jit3A_770 : f32 to vector<512x256xf32>
    %select_n3A_773 = arith.select %eq3A_762, %broadcast_in_dim3A_771, %broadcast_in_dim3A_772 : vector<512x256xi1>, vector<512x256xf32>
    %dot_general3A_774 = arith.constant dense<0.000000e+00> : vector<1x256xf32>
    %dot_general3A_775 = tpu.matmul %convert_element_type3A_248, %select_n3A_773, %dot_general3A_774 {dimension_numbers = #tpu.dot_dimension_numbers<[1], [0], [0], [1], [0, 0, 1, 1], [], []>, transpose_lhs_hint = false} : vector<1x512xf32>, vector<512x256xf32>, vector<1x256xf32> -> vector<1x256xf32>
    %mul3A_776 = arith.constant 256 : i32
    %mul3A_777 = vector.broadcast %mul3A_776 : i32 to vector<1x256xi32>
    %mul3A_778 = arith.muli %sub3A_768, %mul3A_777 : vector<1x256xi32>
    %convert_element_type3A_779 = arith.fptosi %dot_general3A_775 : vector<1x256xf32> to vector<1x256xi32>
    %add3A_780 = arith.addi %mul3A_778, %convert_element_type3A_779 : vector<1x256xi32>
    %add3A_781 = arith.constant 100000 : i32
    %add3A_782 = vector.broadcast %add3A_781 : i32 to vector<1x256xi32>
    %add3A_783 = arith.addi %add3A_780, %add3A_782 : vector<1x256xi32>
    %swap3A_784 = arith.constant 16 : index
    %swap3A_785 = arith.constant 0 : index
    %swap3A_786 = vector.load %arg8[%swap3A_784, %swap3A_785] : memref<20x256xi32, #tpu.memory_space<vmem>>, vector<1x256xi32>
    tpu.vector_store %arg8[%swap3A_784, %swap3A_785], %add3A_783 {strides = array<i32>} : memref<20x256xi32, #tpu.memory_space<vmem>>, vector<1x256xi32>,
    %jit3A_787 = arith.constant -2147483648 : i32
    %broadcast_in_dim3A_788 = vector.broadcast %jit3A_787 : i32 to vector<512x256xi32>
    %select_n3A_789 = arith.select %eq3A_762, %broadcast_in_dim3A_788, %select_n3A_757 : vector<512x256xi1>, vector<512x256xi32>
    %reduce_max3A_790 = arith.constant dense<-2147483648> : vector<256xi32>
    %reduce_max3A_791 = vector.multi_reduction <maxsi>, %select_n3A_789, %reduce_max3A_790 [0] : vector<512x256xi32> to vector<256xi32>
    %broadcast_in_dim3A_792 = vector.shape_cast %reduce_max3A_791 : vector<256xi32> to vector<1x256xi32>
    %eq3A_793 = vector.broadcast %broadcast_in_dim3A_792 : vector<1x256xi32> to vector<512x256xi32>
    %eq3A_794 = arith.cmpi eq, %select_n3A_789, %eq3A_793 : vector<512x256xi32>
    %and3A_795 = arith.constant 31 : i32
    %and3A_796 = vector.broadcast %and3A_795 : i32 to vector<1x256xi32>
    %and3A_797 = arith.andi %broadcast_in_dim3A_792, %and3A_796 : vector<1x256xi32>
    %sub3A_798 = arith.constant 31 : i32
    %sub3A_799 = vector.broadcast %sub3A_798 : i32 to vector<1x256xi32>
    %sub3A_800 = arith.subi %sub3A_799, %and3A_797 : vector<1x256xi32>
    %jit3A_801 = arith.constant 1.000000e+00 : f32
    %jit3A_802 = arith.constant 0.000000e+00 : f32
    %broadcast_in_dim3A_803 = vector.broadcast %jit3A_801 : f32 to vector<512x256xf32>
    %broadcast_in_dim3A_804 = vector.broadcast %jit3A_802 : f32 to vector<512x256xf32>
    %select_n3A_805 = arith.select %eq3A_794, %broadcast_in_dim3A_803, %broadcast_in_dim3A_804 : vector<512x256xi1>, vector<512x256xf32>
    %dot_general3A_806 = arith.constant dense<0.000000e+00> : vector<1x256xf32>
    %dot_general3A_807 = tpu.matmul %convert_element_type3A_248, %select_n3A_805, %dot_general3A_806 {dimension_numbers = #tpu.dot_dimension_numbers<[1], [0], [0], [1], [0, 0, 1, 1], [], []>, transpose_lhs_hint = false} : vector<1x512xf32>, vector<512x256xf32>, vector<1x256xf32> -> vector<1x256xf32>
    %mul3A_808 = arith.constant 256 : i32
    %mul3A_809 = vector.broadcast %mul3A_808 : i32 to vector<1x256xi32>
    %mul3A_810 = arith.muli %sub3A_800, %mul3A_809 : vector<1x256xi32>
    %convert_element_type3A_811 = arith.fptosi %dot_general3A_807 : vector<1x256xf32> to vector<1x256xi32>
    %add3A_812 = arith.addi %mul3A_810, %convert_element_type3A_811 : vector<1x256xi32>
    %add3A_813 = arith.constant 100000 : i32
    %add3A_814 = vector.broadcast %add3A_813 : i32 to vector<1x256xi32>
    %add3A_815 = arith.addi %add3A_812, %add3A_814 : vector<1x256xi32>
    %swap3A_816 = arith.constant 17 : index
    %swap3A_817 = arith.constant 0 : index
    %swap3A_818 = vector.load %arg8[%swap3A_816, %swap3A_817] : memref<20x256xi32, #tpu.memory_space<vmem>>, vector<1x256xi32>
    tpu.vector_store %arg8[%swap3A_816, %swap3A_817], %add3A_815 {strides = array<i32>} : memref<20x256xi32, #tpu.memory_space<vmem>>, vector<1x256xi32>,
    %jit3A_819 = arith.constant -2147483648 : i32
    %broadcast_in_dim3A_820 = vector.broadcast %jit3A_819 : i32 to vector<512x256xi32>
    %select_n3A_821 = arith.select %eq3A_794, %broadcast_in_dim3A_820, %select_n3A_789 : vector<512x256xi1>, vector<512x256xi32>
    %reduce_max3A_822 = arith.constant dense<-2147483648> : vector<256xi32>
    %reduce_max3A_823 = vector.multi_reduction <maxsi>, %select_n3A_821, %reduce_max3A_822 [0] : vector<512x256xi32> to vector<256xi32>
    %broadcast_in_dim3A_824 = vector.shape_cast %reduce_max3A_823 : vector<256xi32> to vector<1x256xi32>
    %eq3A_825 = vector.broadcast %broadcast_in_dim3A_824 : vector<1x256xi32> to vector<512x256xi32>
    %eq3A_826 = arith.cmpi eq, %select_n3A_821, %eq3A_825 : vector<512x256xi32>
    %and3A_827 = arith.constant 31 : i32
    %and3A_828 = vector.broadcast %and3A_827 : i32 to vector<1x256xi32>
    %and3A_829 = arith.andi %broadcast_in_dim3A_824, %and3A_828 : vector<1x256xi32>
    %sub3A_830 = arith.constant 31 : i32
    %sub3A_831 = vector.broadcast %sub3A_830 : i32 to vector<1x256xi32>
    %sub3A_832 = arith.subi %sub3A_831, %and3A_829 : vector<1x256xi32>
    %jit3A_833 = arith.constant 1.000000e+00 : f32
    %jit3A_834 = arith.constant 0.000000e+00 : f32
    %broadcast_in_dim3A_835 = vector.broadcast %jit3A_833 : f32 to vector<512x256xf32>
    %broadcast_in_dim3A_836 = vector.broadcast %jit3A_834 : f32 to vector<512x256xf32>
    %select_n3A_837 = arith.select %eq3A_826, %broadcast_in_dim3A_835, %broadcast_in_dim3A_836 : vector<512x256xi1>, vector<512x256xf32>
    %dot_general3A_838 = arith.constant dense<0.000000e+00> : vector<1x256xf32>
    %dot_general3A_839 = tpu.matmul %convert_element_type3A_248, %select_n3A_837, %dot_general3A_838 {dimension_numbers = #tpu.dot_dimension_numbers<[1], [0], [0], [1], [0, 0, 1, 1], [], []>, transpose_lhs_hint = false} : vector<1x512xf32>, vector<512x256xf32>, vector<1x256xf32> -> vector<1x256xf32>
    %mul3A_840 = arith.constant 256 : i32
    %mul3A_841 = vector.broadcast %mul3A_840 : i32 to vector<1x256xi32>
    %mul3A_842 = arith.muli %sub3A_832, %mul3A_841 : vector<1x256xi32>
    %convert_element_type3A_843 = arith.fptosi %dot_general3A_839 : vector<1x256xf32> to vector<1x256xi32>
    %add3A_844 = arith.addi %mul3A_842, %convert_element_type3A_843 : vector<1x256xi32>
    %add3A_845 = arith.constant 100000 : i32
    %add3A_846 = vector.broadcast %add3A_845 : i32 to vector<1x256xi32>
    %add3A_847 = arith.addi %add3A_844, %add3A_846 : vector<1x256xi32>
    %swap3A_848 = arith.constant 18 : index
    %swap3A_849 = arith.constant 0 : index
    %swap3A_850 = vector.load %arg8[%swap3A_848, %swap3A_849] : memref<20x256xi32, #tpu.memory_space<vmem>>, vector<1x256xi32>
    tpu.vector_store %arg8[%swap3A_848, %swap3A_849], %add3A_847 {strides = array<i32>} : memref<20x256xi32, #tpu.memory_space<vmem>>, vector<1x256xi32>,
    %jit3A_851 = arith.constant -2147483648 : i32
    %broadcast_in_dim3A_852 = vector.broadcast %jit3A_851 : i32 to vector<512x256xi32>
    %select_n3A_853 = arith.select %eq3A_826, %broadcast_in_dim3A_852, %select_n3A_821 : vector<512x256xi1>, vector<512x256xi32>
    %reduce_max3A_854 = arith.constant dense<-2147483648> : vector<256xi32>
    %reduce_max3A_855 = vector.multi_reduction <maxsi>, %select_n3A_853, %reduce_max3A_854 [0] : vector<512x256xi32> to vector<256xi32>
    %broadcast_in_dim3A_856 = vector.shape_cast %reduce_max3A_855 : vector<256xi32> to vector<1x256xi32>
    %eq3A_857 = vector.broadcast %broadcast_in_dim3A_856 : vector<1x256xi32> to vector<512x256xi32>
    %eq3A_858 = arith.cmpi eq, %select_n3A_853, %eq3A_857 : vector<512x256xi32>
    %and3A_859 = arith.constant 31 : i32
    %and3A_860 = vector.broadcast %and3A_859 : i32 to vector<1x256xi32>
    %and3A_861 = arith.andi %broadcast_in_dim3A_856, %and3A_860 : vector<1x256xi32>
    %sub3A_862 = arith.constant 31 : i32
    %sub3A_863 = vector.broadcast %sub3A_862 : i32 to vector<1x256xi32>
    %sub3A_864 = arith.subi %sub3A_863, %and3A_861 : vector<1x256xi32>
    %jit3A_865 = arith.constant 1.000000e+00 : f32
    %jit3A_866 = arith.constant 0.000000e+00 : f32
    %broadcast_in_dim3A_867 = vector.broadcast %jit3A_865 : f32 to vector<512x256xf32>
    %broadcast_in_dim3A_868 = vector.broadcast %jit3A_866 : f32 to vector<512x256xf32>
    %select_n3A_869 = arith.select %eq3A_858, %broadcast_in_dim3A_867, %broadcast_in_dim3A_868 : vector<512x256xi1>, vector<512x256xf32>
    %dot_general3A_870 = arith.constant dense<0.000000e+00> : vector<1x256xf32>
    %dot_general3A_871 = tpu.matmul %convert_element_type3A_248, %select_n3A_869, %dot_general3A_870 {dimension_numbers = #tpu.dot_dimension_numbers<[1], [0], [0], [1], [0, 0, 1, 1], [], []>, transpose_lhs_hint = false} : vector<1x512xf32>, vector<512x256xf32>, vector<1x256xf32> -> vector<1x256xf32>
    %mul3A_872 = arith.constant 256 : i32
    %mul3A_873 = vector.broadcast %mul3A_872 : i32 to vector<1x256xi32>
    %mul3A_874 = arith.muli %sub3A_864, %mul3A_873 : vector<1x256xi32>
    %convert_element_type3A_875 = arith.fptosi %dot_general3A_871 : vector<1x256xf32> to vector<1x256xi32>
    %add3A_876 = arith.addi %mul3A_874, %convert_element_type3A_875 : vector<1x256xi32>
    %add3A_877 = arith.constant 100000 : i32
    %add3A_878 = vector.broadcast %add3A_877 : i32 to vector<1x256xi32>
    %add3A_879 = arith.addi %add3A_876, %add3A_878 : vector<1x256xi32>
    %swap3A_880 = arith.constant 19 : index
    %swap3A_881 = arith.constant 0 : index
    %swap3A_882 = vector.load %arg8[%swap3A_880, %swap3A_881] : memref<20x256xi32, #tpu.memory_space<vmem>>, vector<1x256xi32>
    tpu.vector_store %arg8[%swap3A_880, %swap3A_881], %add3A_879 {strides = array<i32>} : memref<20x256xi32, #tpu.memory_space<vmem>>, vector<1x256xi32>,
    return
  }
  func.func @transform_0(%arg0: i32) -> (i32, i32) {
    %c0_i32 = arith.constant 0 : i32
    %c0_i32_0 = arith.constant 0 : i32
    %c0_i32_1 = arith.constant 0 : i32
    return %c0_i32, %c0_i32_0 : i32, i32
  }
  func.func @transform_1(%arg0: i32) -> (i32, i32) {
    %c0_i32 = arith.constant 0 : i32
    %c0_i32_0 = arith.constant 0 : i32
    %c0_i32_1 = arith.constant 0 : i32
    return %c0_i32, %c0_i32_0 : i32, i32
  }
  func.func @transform_2(%arg0: i32) -> (i32, i32) {
    %c0_i32 = arith.constant 0 : i32
    %c0_i32_0 = arith.constant 0 : i32
    %c0_i32_1 = arith.constant 0 : i32
    return %c0_i32, %c0_i32_0 : i32, i32
  }
  func.func @transform_3(%arg0: i32) -> (i32, i32) {
    %c0_i32 = arith.constant 0 : i32
    %c0_i32_0 = arith.constant 0 : i32
    %c0_i32_1 = arith.constant 0 : i32
    return %c0_i32, %c0_i32_0 : i32, i32
  }
  func.func @transform_4(%arg0: i32) -> (i32, i32) {
    %c0_i32 = arith.constant 0 : i32
    %c0_i32_0 = arith.constant 0 : i32
    %c0_i32_1 = arith.constant 0 : i32
    return %c0_i32, %c0_i32_0 : i32, i32
  }
  func.func @transform_5(%arg0: i32) -> (i32, i32) {
    %c0_i32 = arith.constant 0 : i32
    %c0_i32_0 = arith.constant 0 : i32
    %c0_i32_1 = arith.constant 0 : i32
    return %c0_i32, %c0_i32_0 : i32, i32
  }
  func.func @transform_6(%arg0: i32) -> (i32, i32) {
    %c0_i32 = arith.constant 0 : i32
    %c0_i32_0 = arith.constant 0 : i32
    %c0_i32_1 = arith.constant 0 : i32
    return %c0_i32, %c0_i32_0 : i32, i32
  }
  func.func @transform_7(%arg0: i32) -> (i32, i32) {
    %c0_i32 = arith.constant 0 : i32
    %c0_i32_0 = arith.constant 0 : i32
    return %c0_i32, %arg0 : i32, i32
  }
}

</mosaic_0001>

<sc_bundles>
// kernel: kernel.4.cloned.1.call-start
scs
__scs_entry_jumppad:
0x0: {  	(pc) =	sbr.rel $0x88, $3  }
0x1: {  	(tag) =	ssettag $0x0;
	lr =	simm.s32 $0x1  }
0x2: {  	[smem:$0x3F99] =	sst lr;
	_ =	strace $0xD0000000  }
0x3: {  	_ = 	snop  }
0x4: {  	_ = 	snop  }
0x5: {  	_ = 	snop  }
0x6: {  	_ = 	snop  }
0x7: {  	_ = 	snop  }
__scs_overlays_trampoline_lowered:
0x8: {  	[smem:$0x3FA8] =	sst s0  }
0x9: {  	[smem:$0x3FA9] =	sst s1  }
0xa: {  	[smem:$0x3FAA] =	sst s2  }
0xb: {  	[smem:$0x3FAB] =	sst s3  }
0xc: {  	[smem:$0x3FAC] =	sst s4  }
0xd: {  	[smem:$0x3FAD] =	sst s5  }
0xe: {  	[smem:$0x3FAE] =	sst s6  }
0xf: {  	[smem:$0x3FAF] =	sst s7  }
0x10: {  	[smem:$0x3FB0] =	sst s8  }
0x11: {  	[smem:$0x3FB1] =	sst s9;
	s0 =	simm.s32 @!p0 $0x0  }
0x12: {  	s1 =	sld [smem:$0x3F97];
	s0 =	simm.s32 @p0 $0x1  }
0x13: {  	[smem:$0x3FB2] =	sst s0;
	s0 =	simm.s32 @!p1 $0x0  }
0x14: {  	s2 =	sld [smem:$0x3F96];
	s0 =	simm.s32 @p1 $0x1  }
0x15: {  	[smem:$0x3FB3] =	sst s0;
	s0 =	simm.s32 @!p2 $0x0  }
0x16: {  	s3 =	sld [smem:$0x3FDB];
	s0 =	simm.s32 @p2 $0x1  }
0x17: {  	s4 =	simm.s32 $0x1BF5;
	[smem:$0x3FB5] =	sst s0  }
0x18: {  	s0 =	sld [smem:$0x3F98];
	_ =	swait.ge [sflag:s4], $0x0  }
0x19: {  	s7 =	sld [smem:$0x3F99]  }
0x1a: {  	s8 =	sadd.s32 $0xFFFFE003, lr  }
0x1b: {  	s9 =	sadd.s32 $0xFFFFFEF7, lr;
	s5 =	simm.s32 $0xFFFFFFFF;
	p2 =	slt.u32 s8, $0xFFFFF086  }
0x1c: {  	p1 =	slt.u32 s9, $0xF7A;
	s5 =	simm.s32 @!p2 $0x0  }
0x1d: {  	s5 =	simm.s32 @p1 $0x1;
	p0 =	seq.s32 s7, s2  }
0x1e: {  	s7 =	smul.u32 @!p0 $0xF7A, s2;
	p2 =	seq.s32 @!p0 s5, $0x0  }
0x1f: {  	s9 =	smul.u32 $0xF7A, s1;
	s8 =	simm.s32 @!p0 $0x1BF5;
	p2 =	por !p2, p0  }
0x20: {  	[sflag:s8] =	ssyncset.s32 @!p0 $0xFFFFF086;
	s6 =	sadd.s32 @!p0 s3, s7;
	s7 =	simm.s32 @!p0 $0x108  }
0x21: {  	s3 =	sadd.s32 s3, s9;
	s6 =	sadd.s32 @!p0 $0x88, s6;
	s7 =	simm.s32 @p2 $0x1082  }
0x22: {  	[simem:s7], [sflag:s8] =	dma.local @!p0 [hbm:s6], $0xF7A  }
0x23: {  	s9 =	sor.u32 $0xD0000000, s2;
	s6 =	simm.s32 $0x108;
	_ =	swait.ge @!p0 [sflag:s8], $0x0  }
0x24: {  	s3 =	sadd.s32 $0x88, s3;
	s6 =	simm.s32 @!p1 $0x1082;
	[sflag:s4] =	ssyncset.s32 $0xFFFFF086  }
0x25: {  	[simem:s6], [sflag:s4] =	dma.local [hbm:s3], $0xF7A  }
0x26: {  	[smem:$0x3F99] =	sst s1;
	(tag) =	ssettag s2;
	_ =	strace s9  }
0x27: {  	s1 =	sld [smem:$0x3FA9]  }
0x28: {  	s2 =	sld [smem:$0x3FAA]  }
0x29: {  	s4 =	sld [smem:$0x3FAC]  }
0x2a: {  	p0 =	seq.s32 s5, $0x0;
	s5 =	sld [smem:$0x3FAD]  }
0x2b: {  	s6 =	sld [smem:$0x3FAE]  }
0x2c: {  	s7 =	sld [smem:$0x3FAF]  }
0x2d: {  	s3 =	simm.s32 $0x108;
	s8 =	sld [smem:$0x3FB0]  }
0x2e: {  	s3 =	simm.s32 @!p0 $0x1082;
	s9 =	sld [smem:$0x3FB1]  }
0x2f: {  	lr =	sadd.s32 s0, s3;
	s0 =	sld [smem:$0x3FA8]  }
0x30: {  	s3 =	sld [smem:$0x3FAB]  }
0x31: {  	[smem:$0x3FB4] =	sst s10  }
0x32: {  	s10 =	sld [smem:$0x3FB2];
	_ =	sdelay $0x3  }
0x33: {  	p0 =	seq.s32 s10, $0x1;
	s10 =	sld [smem:$0x3FB4];
	_ =	sdelay $0x3  }
0x34: {  	[smem:$0x3FB4] =	sst s10  }
0x35: {  	s10 =	sld [smem:$0x3FB3];
	_ =	sdelay $0x3  }
0x36: {  	p1 =	seq.s32 s10, $0x1;
	s10 =	sld [smem:$0x3FB4];
	_ =	sdelay $0x3  }
0x37: {  	[smem:$0x3FB4] =	sst s10  }
0x38: {  	s10 =	sld [smem:$0x3FB5]  }
0x39: {  	_ = 	snop;
	(pc) =	sbr.ind lr, $3  }
0x3a: {  	_ = 	snop  }
0x3b: {  	_ = 	snop  }
0x3c: {  	p2 =	seq.s32 s10, $0x1;
	s10 =	sld [smem:$0x3FB4]  }
0x3d: {  	_ =	shalt  }
0x3e: {  	_ =	shalt  }
0x3f: {  	_ =	shalt  }
0x40: {  	_ =	shalt  }
0x41: {  	_ =	shalt  }
0x42: {  	_ =	shalt  }
0x43: {  	_ =	shalt  }
0x44: {  	_ =	shalt  }
0x45: {  	_ =	shalt  }
0x46: {  	_ =	shalt  }
0x47: {  	_ =	shalt  }
0x48: {  	_ =	shalt  }
0x49: {  	_ =	shalt  }
0x4a: {  	_ =	shalt  }
0x4b: {  	_ =	shalt  }
0x4c: {  	_ =	shalt  }
0x4d: {  	_ =	shalt  }
0x4e: {  	_ =	shalt  }
0x4f: {  	_ =	shalt  }
0x50: {  	_ =	shalt  }
0x51: {  	_ =	shalt  }
0x52: {  	_ =	shalt  }
0x53: {  	_ =	shalt  }
0x54: {  	_ =	shalt  }
0x55: {  	_ =	shalt  }
0x56: {  	_ =	shalt  }
0x57: {  	_ =	shalt  }
0x58: {  	_ =	shalt  }
0x59: {  	_ =	shalt  }
0x5a: {  	_ =	shalt  }
0x5b: {  	_ =	shalt  }
0x5c: {  	_ =	shalt  }
0x5d: {  	_ =	shalt  }
0x5e: {  	_ =	shalt  }
0x5f: {  	_ =	shalt  }
0x60: {  	_ =	shalt  }
0x61: {  	_ =	shalt  }
0x62: {  	_ =	shalt  }
0x63: {  	_ =	shalt  }
0x64: {  	_ =	shalt  }
0x65: {  	_ =	shalt  }
0x66: {  	_ =	shalt  }
0x67: {  	_ =	shalt  }
0x68: {  	_ =	shalt  }
0x69: {  	_ =	shalt  }
0x6a: {  	_ =	shalt  }
0x6b: {  	_ =	shalt  }
0x6c: {  	_ =	shalt  }
0x6d: {  	_ =	shalt  }
0x6e: {  	_ =	shalt  }
0x6f: {  	_ =	shalt  }
0x70: {  	_ =	shalt  }
0x71: {  	_ =	shalt  }
0x72: {  	_ =	shalt  }
0x73: {  	_ =	shalt  }
0x74: {  	_ =	shalt  }
0x75: {  	_ =	shalt  }
0x76: {  	_ =	shalt  }
0x77: {  	_ =	shalt  }
0x78: {  	_ =	shalt  }
0x79: {  	_ =	shalt  }
0x7a: {  	_ =	shalt  }
0x7b: {  	_ =	shalt  }
0x7c: {  	_ =	shalt  }
0x7d: {  	_ =	shalt  }
0x7e: {  	_ =	shalt  }
0x7f: {  	_ =	shalt  }
0x80: {  	_ =	shalt  }
0x81: {  	_ =	shalt  }
0x82: {  	_ =	shalt  }
0x83: {  	_ =	shalt  }
0x84: {  	_ =	shalt  }
0x85: {  	_ =	shalt  }
0x86: {  	_ =	shalt  }
0x87: {  	_ =	shalt  }
.Lfunc_end0:
.L_simem_size_0:
called_computation_lowered:
.L_overlay_start_0:
0x88: {  	s2 =	sld [smem:$0x3FD9]  }
0x89: {  	s3 =	sld [smem:$0x3FFE];
	_ =	sdelay $0x1  }
0x8a: {  	s1 =	srdreg.scid  }
0x8b: {  	s0 =	sand.u32 $0x1, s1  }
0x8c: {  	s14 =	sshll.u32 s0, $0xA;
	s2 =	sadd.s32 s3, s2  }
0x8d: {  	s2 =	sadd.s32 s2, s14  }
0x8e: {  	[smem:$0x3FC0] =	sst s2  }
0x8f: {  	_ = 	snop  }
0x90: {  	s2 =	sld [smem:$0x3FD0];
	_ =	sdelay $0x2  }
0x91: {  	s15 =	simm.s32 $0xA;
	s4 =	simm.s32 $0x10  }
0x92: {  	[smem:s4], [sflag:s15] =	dma.local [hbm:s2], $0x1  }
0x93: {  	_ =	swait.eq [sflag:s15], $0x1  }
0x94: {  	[sflag:s15] =	ssyncset.done $0x0  }
0x95: {  	s16 =	sld [smem:$0x10];
	[sflag:s15] =	ssyncadd.s32 $0xFFFFFFFF  }
0x96: {  	s17 =	sld [smem:$0x11];
	(tm) =	ssettm $0x1  }
0x97: {  	s18 =	sld [smem:$0x3FFB];
	_ =	sdelay $0x3  }
0x98: {  	_ =	strace s18  }
0x99: {  	s4 =	sld [smem:$0x3FFC];
	_ =	sdelay $0x3  }
0x9a: {  	_ =	strace s4  }
0x9b: {  	s4 =	sld [smem:$0x3FFD];
	_ =	sdelay $0x3  }
0x9c: {  	_ =	strace s4  }
0x9d: {  	_ =	strace $0x8FFFFFFF  }
0x9e: {  	s19 =	sld [smem:$0x3FDB];
	_ =	sdelay $0x1  }
0x9f: {  	s5 =	simm.s32 $_scs_section_size  }
0xa0: {  	s6 =	simm.s32 $_size__tile_overlayer_lowered;
	s7 =	simm.s32 $_tile_overlayer_lowered  }
0xa1: {  	s22 =	simm.s32 $0x1BFF;
	s21 =	sshll.u32 s7, $0x1;
	s4 =	sadd.s32 s5, s19  }
0xa2: {  	s8 =	simm.s32 $0x0;
	s20 =	sshll.u32 s6, $0x1;
	s6 =	sadd.s32 s21, s4  }
0xa3: {  	[timem:s8], [sflag:s22] =	dma.local [hbm:s6], s20  }
0xa4: {  	_ =	swait.ge [sflag:s22], s20  }
0xa5: {  	s5 =	ssub.s32 $0x0, s20;
	[sflag:s22] =	ssyncset.done $0x0  }
0xa6: {  	[sflag:s22] =	ssyncadd.s32 s5;
	_ =	sdelay $0x1  }
0xa7: {  	s23 =	simm.s32 $0x1B8B  }
0xa8: {  	_ =	swait.ge [sflag:s23], $0x1  }
0xa9: {  	[sflag:s23] =	ssyncset.done $0x0  }
0xaa: {  	s25 =	simm.s32 $0x1B8E;
	s24 =	sld [smem:$0x3FFE];
	[sflag:s23] =	ssyncadd.s32 $0xFFFFFFFF  }
0xab: {  	s26 =	simm.s32 $execute0_lowered;
	[smem:$0x3FD2] =	sst s25  }
0xac: {  	s6 =	sshll.u32 s26, $0x1;
	_ =	strace $0x80000046;
	[dreg:$0x1] =	wrdreg $0xFFFFFFFF  }
0xad: {  	s28 =	simm.s32 $_size_execute0_lowered;
	s4 =	sadd.s32 s4, s6;
	[dreg:$0x0] =	wrdreg $0x0  }
0xae: {  	s6 =	sshll.u32 s28, $0x1;
	[dreg:$0x2] =	wrdreg s4  }
0xaf: {  	[dreg:$0x3] =	wrdreg s6  }
0xb0: {  	[dreg:$0x4] =	wrdreg $0xC0  }
0xb1: {  	_ =	task [dreg:s8], $0x5FFFF  }
0xb2: {  	[dreg:$0x1] =	wrdreg $0xFFFFFFFF  }
0xb3: {  	[dreg:$0x0] =	wrdreg $0x60  }
0xb4: {  	[dreg:$0x2] =	wrdreg s16  }
0xb5: {  	[dreg:$0x3] =	wrdreg s24  }
0xb6: {  	[dreg:$0x4] =	wrdreg s17  }
0xb7: {  	[dreg:$0x5] =	wrdreg $0x9  }
0xb8: {  	_ =	task.clear_ibuf [dreg:s8], $0x6FFFF;
	_ =	strace $0x90000046  }
0xb9: {  	s29 =	simm.s32 $0x9;
	_ =	strace $0x80000048  }
0xba: {  	_ =	swait.ge [sflag:s29], $0x1  }
0xbb: {  	[sflag:s29] =	ssyncadd.s32 $0xFFFFFFFF  }
0xbc: {  	_ =	strace $0x90000048  }
0xbd: {  	_ =	sfence  }
0xbe: {  	s30 =	sld [smem:$0x0];
	_ =	sdelay $0x2  }
0xbf: {  	s31 =	sshll.u32 s1, $0xD;
	s1 =	sshrl.u32 s1, $0x2  }
0xc0: {  	s3 =	sand.u32 $0x4000, s31;
	s1 =	sadd.s32 s1, s30  }
0xc1: {  	s0 =	sor.u32 s3, s0;
	s1 =	sshll.u32 s1, $0x11  }
0xc2: {  	s0 =	sor.u32 s1, s0  }
0xc3: {  	s0 =	sadd.s32 $0x8F2B, s0  }
0xc4: {  	[sflag:s0] =	ssyncadd.remote.s32 $0x1  }
0xc5: {  	_ =	sfence.sel $0xFFFF  }
0xc6: {  	[dreg:$0x0] =	wrdreg $0xFFFFFFFF;
	(pc) =	sbr.abs _section_cstart, $3  }
0xc7: {  	[dreg:$0x1] =	wrdreg $0xFFFFFFFF  }
0xc8: {  	_ =	task.clear_ibuf [dreg:s8], $0x2FFFF;
	_ =	strace $0x9FFFFFFF  }
0xc9: {  	(tm) =	ssettm $0x7FFFFFFF  }
tec
execute0_lowered:
.L_overlay_start_1:
0x0: {  	(tag) =	ssettag $0x1  }
0x1: {  	s3 =	rddreg [dreg:$0x0]  }
0x2: {  	s1 =	srdreg.scid;
	s4 =	rddreg [dreg:$0x1]  }
0x3: {  	s0 =	stileid.u32;
	s7 =	rddreg [dreg:$0x2];
	s2 =	simm.s32 $0x0  }
0x4: {  	s19 =	simm.s32 $0x7A80;
	s20 =	simm.s32 $0xF500;
	s21 =	simm.s32 $0x10900  }
0x5: {  	s22 =	simm.s32 $0x11D00;
	s5 =	sand.u32 $0x1, s1;
	s29 =	sshll.u32 s0, $0x1  }
0x6: {  	s24 =	simm.s32 $0x2;
	s1 =	rddreg [dreg:$0x3];
	s6 =	sor.u32 s5, s29  }
0x7: {  	s25 =	simm.s32 $0x0;
	[smem:$0x7FF] =	sst s2;
	s8 =	smul.u32 $0x1400, s6  }
0x8: {  	s14 =	sadd.s32 $0x6C00, s4;
	s5 =	ssub.s32 $0x2, s5;
	s9 =	smul.u32 $0x7A20, s6  }
0x9: {  	s11 =	sshrl.u32 s5, $0x1;
	s30 =	smul.u32 $0xA220, s6;
	s6 =	sshll.u32 s6, $0x8  }
0xa: {  	_ =	strace $0x80000047;
	s18 =	ssub.s32 s5, s11;
	s23 =	sadd.s32 $0x186A0, s6  }
0xb: {  	s8 =	sshrl.u32 s8, $0x3;
	s9 =	smin.u32 s9, $0xEC820;
	s18 =	smax.u32 s18, $0x1  }
0xc: {  	v0 =	vmov s23;
	s23 =	simm.s32 $0x1;
	s10 =	sadd.s32 s8, s4;
	s13 =	sshrl.u32 s9, $0x3  }
0xd: {  	s9 =	smin.u32 s30, $0x13A020;
	s17 =	sadd.s32 s14, s8;
	s3 =	sadd.s32 s3, s13  }
0xe: {  	s5 =	sadd.s32 $0x1C00, s10;
	s31 =	sshrl.u32 s9, $0x3;
	s6 =	sadd.s32 $0x1E848, s17  }
0xf: {  	s8 =	sadd.s32 $0x4C090, s17;
	s13 =	sadd.s32 s14, s13;
	s16 =	sadd.s32 $0x23848, s17  }
0x10: {  	s17 =	sadd.s32 $0x47090, s17;
	s4 =	sadd.s32 $0x1E848, s3;
	s7 =	sadd.s32 s7, s31  }
0x11: {  	v1 =	vlaneseq.u32;
	s15 =	sadd.s32 $0x28848, s13;
	s9 =	sadd.s32 $0x400, s7;
	s10 =	sadd.s32 $0x800, s7  }
0x12: {  	v2 =	vimm.f32 $1.000000000e+00;
	v1 =	vmul.u32 $0x199A, v1;
	s11 =	sadd.s32 $0xC00, s7;
	s12 =	sadd.s32 $0x1000, s7;
	s14 =	sadd.s32 $0x1400, s7  }
.LBB2_1:
0x13: {  	v3 =	vmov s2  }
0x14: {  	v3 =	vmul.u32 $0x199A, v3  }
0x15: {  	s26 =	simm.s32 $0x10  }
0x16: {  	[tilespmem:s2], [sflag:$0x1] =	stream.linear.gather [hbm4b:s3+s2], $0x7A20, $0x38;
	v4 =	vmov s26;
	v3 =	vbroadcast v3, $0x0;
	[tilespmem:$0x13D00] =	vst v63  }
0x17: {  	v4 =	vmul.u32 $0x199A, v4  }
0x18: {  	[tilespmem:s19], [sflag:$0x1] =	stream.linear.gather [hbm4b:s4+s2], $0x7A20, $0x38;
	v3 =	vadd.s32 v1, v3;
	[tilespmem:$0x13D00] =	vst v63  }
0x19: {  	v4 =	vbroadcast v4, $0x0;
	v3 =	vshrl.u32 v3, $0x11  }
0x1a: {  	[tilespmem:s20], [sflag:$0x1] =	stream.linear.gather [hbm4b:s5+s2], $0x1400, $0x38;
	v3 =	vadd.s32 v0, v3;
	[tilespmem:$0x13D00] =	vst v63  }
0x1b: {  	s28 =	simm.s32 $0x20;
	s26 =	simm.s32 $0x10900;
	[tilespmem:s21+$0x0] =	vst v3;
	v3 =	vadd.s32 v1, v4  }
.LBB2_2:
0x1c: {  	v4 =	vmov s28;
	p0 =	sne.s32 s28, $0x13F0;
	s28 =	sadd.s32 $0x10, s28;
	v3 =	vshrl.u32 v3, $0x11  }
.Ltmp0:
0x1d: {  	s26 =	sadd.s32 $0x10, s26;
	v4 =	vmul.u32 $0x199A, v4;
	v3 =	vadd.s32 v0, v3;
	(pc) =	sbr.rel @p0 .LBB2_2-.Ltmp0, $3  }
0x1e: {  	[tilespmem:s26+$0x0] =	vst v3  }
0x1f: {  	v3 =	vbroadcast v4, $0x0;
	_ =	sdelay $0x1  }
0x20: {  	v3 =	vadd.s32 v1, v3  }
0x21: {  	v3 =	vshrl.u32 v3, $0x11  }
0x22: {  	s26 =	sadd.s32 $0x10, s26;
	v3 =	vadd.s32 v0, v3  }
0x23: {  	s28 =	simm.s32 $0x0;
	[tilespmem:s26+$0x0] =	vst v3;
	s26 =	simm.s32 $0x40  }
.LBB2_4:
0x24: {  	p0 =	sne.s32 s26, $0x7FC0;
	[tilespmem:s28+$0x11D00] =	vst v2;
	s28 =	smov.u32 s26;
	s26 =	sadd.s32 $0x40, s26  }
.Ltmp1:
0x25: {  	(pc) =	sbr.rel @p0 .LBB2_4-.Ltmp1, $2  }
0x26: {  	_ =	sdelay $0x2  }
0x27: {  	s28 =	sshra.s32 s28, $0x2  }
0x28: {  	[tilespmem:s28+$0x11D00] =	vst v2  }
0x29: {  	[hbm4b:s6+s2] =	stream.linear.scatter [tilespmem:s21], [sflag:$0x2], $0x1400, $0x38;
	[tilespmem:$0x13D00] =	vst v63  }
0x2a: {  	_ = 	snop  }
0x2b: {  	[hbm4b:s8+s2] =	stream.linear.scatter [tilespmem:s21], [sflag:$0x2], $0x1400, $0x38;
	[tilespmem:$0x13D00] =	vst v63  }
0x2c: {  	_ = 	snop  }
0x2d: {  	[hbm4b:s7+s2] =	stream.linear.scatter [tilespmem:s22], [sflag:$0x2], $0x2000, $0x38;
	[tilespmem:$0x13D00] =	vst v63  }
0x2e: {  	_ = 	snop  }
0x2f: {  	[hbm4b:s9+s2] =	stream.linear.scatter [tilespmem:s22], [sflag:$0x2], $0x2000, $0x38;
	[tilespmem:$0x13D00] =	vst v63  }
0x30: {  	_ = 	snop  }
0x31: {  	[hbm4b:s10+s2] =	stream.linear.scatter [tilespmem:s22], [sflag:$0x2], $0x2000, $0x38;
	[tilespmem:$0x13D00] =	vst v63  }
0x32: {  	_ = 	snop  }
0x33: {  	[hbm4b:s11+s2] =	stream.linear.scatter [tilespmem:s22], [sflag:$0x2], $0x2000, $0x38;
	[tilespmem:$0x13D00] =	vst v63  }
0x34: {  	_ = 	snop  }
0x35: {  	[hbm4b:s12+s2] =	stream.linear.scatter [tilespmem:s22], [sflag:$0x2], $0x2000, $0x38;
	[tilespmem:$0x13D00] =	vst v63  }
0x36: {  	_ = 	snop  }
0x37: {  	[hbm4b:s14+s2] =	stream.linear.scatter [tilespmem:s22], [sflag:$0x2], $0x220, $0x38;
	[tilespmem:$0x13D00] =	vst v63  }
0x38: {  	_ =	swait.ge [sflag:s23], $0x7A20  }
0x39: {  	[sflag:s23] =	ssyncset.done $0x0  }
0x3a: {  	[sflag:s23] =	ssyncadd.s32 $0xFFFF85E0  }
0x3b: {  	[hbm4b:s13+s2] =	stream.linear.scatter [tilespmem:s2], [sflag:$0x2], $0x7A20, $0x38;
	[tilespmem:$0x13D00] =	vst v63  }
0x3c: {  	_ =	swait.ge [sflag:s23], $0x7A20  }
0x3d: {  	[sflag:s23] =	ssyncset.done $0x0  }
0x3e: {  	[sflag:s23] =	ssyncadd.s32 $0xFFFF85E0  }
0x3f: {  	[hbm4b:s15+s2] =	stream.linear.scatter [tilespmem:s19], [sflag:$0x2], $0x7A20, $0x38;
	[tilespmem:$0x13D00] =	vst v63  }
0x40: {  	_ =	swait.ge [sflag:s23], $0x1400  }
0x41: {  	[sflag:s23] =	ssyncset.done $0x0  }
0x42: {  	[sflag:s23] =	ssyncadd.s32 $0xFFFFEC00  }
0x43: {  	[hbm4b:s16+s2] =	stream.linear.scatter [tilespmem:s20], [sflag:$0x2], $0x1400, $0x38;
	[tilespmem:$0x13D00] =	vst v63  }
0x44: {  	_ = 	snop  }
0x45: {  	[hbm4b:s17+s2] =	stream.linear.scatter [tilespmem:s20], [sflag:$0x2], $0x1400, $0x38;
	[tilespmem:$0x13D00] =	vst v63  }
0x46: {  	_ =	swait.ge [sflag:s24], $0x1400  }
0x47: {  	[sflag:s24] =	ssyncset.done $0x0  }
0x48: {  	[sflag:s24] =	ssyncadd.s32 $0xFFFFEC00  }
0x49: {  	_ =	swait.ge [sflag:s24], $0x1400  }
0x4a: {  	[sflag:s24] =	ssyncset.done $0x0  }
0x4b: {  	[sflag:s24] =	ssyncadd.s32 $0xFFFFEC00  }
0x4c: {  	_ =	swait.ge [sflag:s24], $0x2000  }
0x4d: {  	[sflag:s24] =	ssyncset.done $0x0  }
0x4e: {  	[sflag:s24] =	ssyncadd.s32 $0xFFFFE000  }
0x4f: {  	_ =	swait.ge [sflag:s24], $0x2000  }
0x50: {  	[sflag:s24] =	ssyncset.done $0x0  }
0x51: {  	[sflag:s24] =	ssyncadd.s32 $0xFFFFE000  }
0x52: {  	_ =	swait.ge [sflag:s24], $0x2000  }
0x53: {  	[sflag:s24] =	ssyncset.done $0x0  }
0x54: {  	[sflag:s24] =	ssyncadd.s32 $0xFFFFE000  }
0x55: {  	_ =	swait.ge [sflag:s24], $0x2000  }
0x56: {  	[sflag:s24] =	ssyncset.done $0x0  }
0x57: {  	[sflag:s24] =	ssyncadd.s32 $0xFFFFE000  }
0x58: {  	_ =	swait.ge [sflag:s24], $0x2000  }
0x59: {  	[sflag:s24] =	ssyncset.done $0x0  }
0x5a: {  	[sflag:s24] =	ssyncadd.s32 $0xFFFFE000  }
0x5b: {  	_ =	swait.ge [sflag:s24], $0x220  }
0x5c: {  	[sflag:s24] =	ssyncset.done $0x0  }
0x5d: {  	[sflag:s24] =	ssyncadd.s32 $0xFFFFFDE0  }
0x5e: {  	_ =	swait.ge [sflag:s24], $0x7A20  }
0x5f: {  	[sflag:s24] =	ssyncset.done $0x0  }
0x60: {  	[sflag:s24] =	ssyncadd.s32 $0xFFFF85E0  }
0x61: {  	_ =	swait.ge [sflag:s24], $0x7A20  }
0x62: {  	[sflag:s24] =	ssyncset.done $0x0  }
0x63: {  	s25 =	sadd.s32 $0x1, s25;
	[sflag:s24] =	ssyncadd.s32 $0xFFFF85E0  }
0x64: {  	p0 =	sne.s32 s25, s18;
	_ =	swait.ge [sflag:s24], $0x1400  }
.Ltmp2:
0x65: {  	[sflag:s24] =	ssyncset.done $0x0;
	(pc) =	sbr.rel @p0 .LBB2_1-.Ltmp2, $4  }
0x66: {  	[sflag:s24] =	ssyncadd.s32 $0xFFFFEC00  }
0x67: {  	_ =	swait.ge [sflag:s24], $0x1400  }
0x68: {  	[sflag:s24] =	ssyncset.done $0x0  }
0x69: {  	[sflag:s24] =	ssyncadd.s32 $0xFFFFEC00  }
0x6a: {  	_ =	sfence.sel $0x180000  }
0x6b: {  	[bflag:$0x0] =	sbarrier.arrive $0xFFFF  }
0x6c: {  	p0 =	sne.s32 s0, $0x0;
	_ =	strace $0x90000047  }
0x6d: {  	s0 =	sadd.s32 @!p0 $0x100000, s1;
	[bflag:$0x2] =	sbarrier.arrive $0xFFFF  }
0x6e: {  	[sflag:s0] =	ssyncadd.tile.s32 @!p0 $0x1;
	_ =	shalt  }
.Lfunc_end2:
_tile_overlayer_lowered:
.L_overlay_start_2:
0x6f: {  	(tag) =	ssettag $0x2  }
0x70: {  	s0 =	rddreg [dreg:$0x0];
	s2 =	stileid.u32  }
0x71: {  	s1 =	rddreg [dreg:$0x1];
	p0 =	sne.s32 s2, $0x0  }
0x72: {  	s3 =	rddreg [dreg:$0x2];
	[bflag:$0x3] =	sbarrier.arrive $0xFFFF;
	s2 =	simm.s32 @!p0 $0x1C03  }
0x73: {  	[timem:s3], [sflag:s2] =	dma.local @!p0 [hbm:s0], s1  }
0x74: {  	s0 =	simm.s32 @!p0 $0x3  }
0x75: {  	_ =	swait.ge @!p0 [sflag:s0], s1  }
0x76: {  	s1 =	ssub.s32 @!p0 $0x0, s1;
	[sflag:s0] =	ssyncset.done @!p0 $0x0  }
0x77: {  	[sflag:s0] =	ssyncadd.s32 @!p0 s1  }
0x78: {  	[bflag:$0x3] =	sbarrier.arrive $0xFFFF  }
0x79: {  	_ =	shalt  }

</sc_bundles>
